<compile_context>
chip_gen: v7x
topology: tpu7x:2x2x1
jax: 0.10.2.dev20260603
libtpu: 0.0.44.dev20260713+nightly
codegen_flags: <defaults>
</compile_context>

<pallas_src>
import functools

import jax
import jax.numpy as jnp
from jax import lax
from jax.experimental import pallas as pl
from jax.experimental.pallas import tpu as pltpu
from jax.experimental.pallas import tpu_sc as plsc

BATCH = 4
SEQ_LEN = 8192
D_MODEL = 768

_NUM_CORES = 2
_NUM_SUBCORES = 16
_NW = _NUM_CORES * _NUM_SUBCORES
_B_PER_W = BATCH * SEQ_LEN // _NW
_W_PER_ROW = SEQ_LEN // _B_PER_W
_CHUNK = 32
_N_CHUNKS = _B_PER_W // _CHUNK
_ND = 4
_SW = 1
_N_GROUPS = _N_CHUNKS // _ND


def _emb_body(table_hbm, idx_hbm, out_hbm, idx_v, rows_all, *sems):
    rows = tuple(rows_all.at[pl.ds(b * _CHUNK, _CHUNK)] for b in range(_ND))
    gsem = sems[:_ND]
    ssem = sems[_ND:]
    wid = lax.axis_index("c") * _NUM_SUBCORES + lax.axis_index("s")
    brow = wid // _W_PER_ROW
    cbase0 = (wid % _W_PER_ROW) * _B_PER_W
    pltpu.sync_copy(idx_hbm.at[brow, pl.ds(cbase0, _B_PER_W)], idx_v)

    def gather_start(c, b):
        pltpu.async_copy(
            table_hbm.at[idx_v.at[pl.ds(c * _CHUNK, _CHUNK)]], rows[b], gsem[b]
        )

    def gather_wait(b):
        pltpu.make_async_copy(
            table_hbm.at[idx_v.at[pl.ds(0, _CHUNK)]], rows[b], gsem[b]
        ).wait()

    def store_start(c, b):
        pltpu.async_copy(
            rows[b], out_hbm.at[brow, pl.ds(cbase0 + c * _CHUNK, _CHUNK)],
            ssem[b],
        )

    def store_wait(b):
        pltpu.make_async_copy(
            rows[b], out_hbm.at[brow, pl.ds(cbase0, _CHUNK)], ssem[b]
        ).wait()

    for b in range(_ND - _SW):
        gather_start(b, b)

    def group(g, _):
        cbase = g * _ND
        for b in range(_ND):
            gather_wait(b)
            store_start(cbase + b, b)
            if b >= _SW:
                store_wait(b - _SW)
                refill = functools.partial(
                    gather_start, cbase + b + _ND - _SW, (b - _SW) % _ND
                )
                pl.when(g < _N_GROUPS - 1)(refill)
            else:
                waitprev = functools.partial(store_wait, (b - _SW) % _ND)
                pl.when(g > 0)(waitprev)
                gather_start(cbase + b + _ND - _SW, (b - _SW) % _ND)
        return 0

    lax.fori_loop(0, _N_GROUPS, group, 0, unroll=False)
    for c in range(_N_CHUNKS - _SW, _N_CHUNKS):
        store_wait(c % _ND)


@jax.jit
def _embed(token_ids, embedding):
    mesh = plsc.VectorSubcoreMesh(core_axis_name="c", subcore_axis_name="s")
    k = functools.partial(
        pl.kernel,
        mesh=mesh,
        out_type=jax.ShapeDtypeStruct((BATCH, SEQ_LEN, D_MODEL), jnp.float32),
        scratch_types=(
            [pltpu.VMEM((_B_PER_W,), jnp.int32)]
            + [pltpu.VMEM((_ND * _CHUNK, D_MODEL), jnp.float32)]
            + [pltpu.SemaphoreType.DMA] * (2 * _ND)
        ),
    )(_emb_body)
    return k(embedding, token_ids)


def kernel(token_ids, embedding):
    return _embed(token_ids.astype(jnp.int32), embedding)

# --- scband reference (transcript-rebuilt; emitter-appended) ---
"""Pipeline reference for scband-token-embedding-37074157699670 (READ-ONLY COPY).

The authoritative reference and input builder live on the scoring server;
editing this copy changes nothing except your own understanding.
"""

import jax, jax.numpy as jnp
import numpy as np

VOCAB_SIZE = 100000
D_MODEL = 768
BATCH = 4
SEQ_LEN = 8192


def setup_inputs(seed: int = 0) -> dict:
    key = jax.random.key(seed)
    k_ids, k_emb = jax.random.split(key)
    token_ids = jax.random.randint(k_ids, (BATCH, SEQ_LEN), 0, VOCAB_SIZE, dtype=jnp.int64) if jax.config.jax_enable_x64 else jax.random.randint(k_ids, (BATCH, SEQ_LEN), 0, VOCAB_SIZE, dtype=jnp.int32)
    # Embedding table initialized like nnx.Embed default (normal-ish init)
    embedding = jax.random.normal(k_emb, (VOCAB_SIZE, D_MODEL), dtype=jnp.float32) * 0.02
    return {"token_ids": token_ids, "embedding": embedding}


def reference(token_ids, embedding):
    # TokenEmbedding.__call__: gather rows of the embedding table
    # -> (batch, seq_len, d_model)
    embeddings = jnp.take(embedding, token_ids, axis=0)
    return embeddings

if __name__ == "__main__":
    import jax
    _d = setup_inputs()
    print(jax.jit(kernel)(*tuple(_d.values())))

</pallas_src>

<mosaic_0001>
#map = affine_map<(d0, d1) -> (0, 0)>
#map1 = affine_map<(d0, d1) -> (0, 0, 0)>
module attributes {stable_mosaic.version = 14 : i64} {
  func.func @_emb_body(%arg0: i32, %arg1: i32, %arg2: memref<100000x768xf32, #tpu.memory_space<hbm>>, %arg3: memref<4x8192xi32, #tpu.memory_space<hbm>>, %arg4: memref<4x8192x768xf32, #tpu.memory_space<hbm>>, %arg5: memref<1024xi32, #tpu.memory_space<vmem>>, %arg6: memref<128x768xf32, #tpu.memory_space<vmem>>, %arg7: memref<!tpu.dma_semaphore, #tpu.memory_space<semaphore_mem>>, %arg8: memref<!tpu.dma_semaphore, #tpu.memory_space<semaphore_mem>>, %arg9: memref<!tpu.dma_semaphore, #tpu.memory_space<semaphore_mem>>, %arg10: memref<!tpu.dma_semaphore, #tpu.memory_space<semaphore_mem>>, %arg11: memref<!tpu.dma_semaphore, #tpu.memory_space<semaphore_mem>>, %arg12: memref<!tpu.dma_semaphore, #tpu.memory_space<semaphore_mem>>, %arg13: memref<!tpu.dma_semaphore, #tpu.memory_space<semaphore_mem>>, %arg14: memref<!tpu.dma_semaphore, #tpu.memory_space<semaphore_mem>>) attributes {dimension_semantics = [#tpu.dimension_semantics<core_parallel>, #tpu.dimension_semantics<subcore_parallel>], iteration_bounds = array<i64: 2, 16>, scalar_prefetch = 0 : i64, scratch_operands = 10 : i64, tpu.core_type = #tpu.core_type<sc_vector_subcore>, window_params = [{transform_indices = #map}, {transform_indices = #map}, {transform_indices = #map1}]} {
    %mul3A = arith.constant 16 : i32
    %mul3A_0 = arith.muli %arg0, %mul3A : i32
    %add3A = arith.addi %mul3A_0, %arg1 : i32
    %jit3A = arith.constant 8 : i32
    %div3A = arith.divsi %add3A, %jit3A : i32
    %sign3A = arith.constant 0 : i32
    %sign3A_1 = arith.cmpi sgt, %add3A, %sign3A : i32
    %sign3A_2 = arith.extui %sign3A_1 : i1 to i32
    %sign3A_3 = arith.constant 0 : i32
    %sign3A_4 = arith.cmpi slt, %add3A, %sign3A_3 : i32
    %sign3A_5 = arith.extui %sign3A_4 : i1 to i32
    %sign3A_6 = arith.subi %sign3A_2, %sign3A_5 : i32
    %sign3A_7 = arith.constant 0 : i32
    %sign3A_8 = arith.cmpi sgt, %jit3A, %sign3A_7 : i32
    %sign3A_9 = arith.extui %sign3A_8 : i1 to i32
    %sign3A_10 = arith.constant 0 : i32
    %sign3A_11 = arith.cmpi slt, %jit3A, %sign3A_10 : i32
    %sign3A_12 = arith.extui %sign3A_11 : i1 to i32
    %sign3A_13 = arith.subi %sign3A_9, %sign3A_12 : i32
    %ne3A = arith.cmpi ne, %sign3A_6, %sign3A_13 : i32
    %rem3A = arith.remsi %add3A, %jit3A : i32
    %ne3A_14 = arith.constant 0 : i32
    %ne3A_15 = arith.cmpi ne, %rem3A, %ne3A_14 : i32
    %and3A = arith.andi %ne3A, %ne3A_15 : i1
    %sub3A = arith.constant 1 : i32
    %sub3A_16 = arith.subi %div3A, %sub3A : i32
    %select_n3A = arith.select %and3A, %sub3A_16, %div3A : i32
    %jit3A_17 = arith.constant 8 : i32
    %eq3A = arith.constant 0 : i32
    %eq3A_18 = arith.cmpi eq, %jit3A_17, %eq3A : i32
    %jit3A_19 = arith.constant 1 : i32
    %select_n3A_20 = arith.select %eq3A_18, %jit3A_19, %jit3A_17 : i32
    %rem3A_21 = arith.remsi %add3A, %select_n3A_20 : i32
    %ne3A_22 = arith.constant 0 : i32
    %ne3A_23 = arith.cmpi ne, %rem3A_21, %ne3A_22 : i32
    %lt3A = arith.constant 0 : i32
    %lt3A_24 = arith.cmpi slt, %rem3A_21, %lt3A : i32
    %lt3A_25 = arith.constant 0 : i32
    %lt3A_26 = arith.cmpi slt, %select_n3A_20, %lt3A_25 : i32
    %ne3A_27 = arith.xori %lt3A_24, %lt3A_26 : i1
    %and3A_28 = arith.andi %ne3A_27, %ne3A_23 : i1
    %add3A_29 = arith.addi %rem3A_21, %select_n3A_20 : i32
    %select_n3A_30 = arith.select %and3A_28, %add3A_29, %rem3A_21 : i32
    %mul3A_31 = arith.constant 1024 : i32
    %mul3A_32 = arith.muli %select_n3A_30, %mul3A_31 : i32
    "tpu.region"() ({
      %run_scoped3A = tpu.sem_alloc : memref<!tpu.dma_semaphore, #tpu.memory_space<semaphore_mem>>
      %dma_start3A_73 = tpu.memref_slice %arg3[%select_n3A, %mul3A_32] : memref<4x8192xi32, #tpu.memory_space<hbm>> -> memref<1x1024xi32, #tpu.memory_space<hbm>>
      %dma_start3A_74 = tpu.memref_squeeze %dma_start3A_73 : memref<1x1024xi32, #tpu.memory_space<hbm>> -> memref<1024xi32, #tpu.memory_space<hbm>>
      %dma_start3A_75 = tpu.memref_slice %arg3[%select_n3A, %mul3A_32] : memref<4x8192xi32, #tpu.memory_space<hbm>> -> memref<1x1024xi32, #tpu.memory_space<hbm>>
      %dma_start3A_76 = tpu.memref_squeeze %dma_start3A_75 : memref<1x1024xi32, #tpu.memory_space<hbm>> -> memref<1024xi32, #tpu.memory_space<hbm>>
      tpu.enqueue_dma source(%dma_start3A_76 : memref<1024xi32, #tpu.memory_space<hbm>>) target(%arg5 : memref<1024xi32, #tpu.memory_space<vmem>>) target_semaphore(%run_scoped3A : memref<!tpu.dma_semaphore, #tpu.memory_space<semaphore_mem>>)
      %dma_wait3A_77 = tpu.memref_slice %arg3[%select_n3A, %mul3A_32] : memref<4x8192xi32, #tpu.memory_space<hbm>> -> memref<1x1024xi32, #tpu.memory_space<hbm>>
      %dma_wait3A_78 = tpu.memref_squeeze %dma_wait3A_77 : memref<1x1024xi32, #tpu.memory_space<hbm>> -> memref<1024xi32, #tpu.memory_space<hbm>>
      %dma_wait3A_79 = tpu.memref_slice %arg3[%select_n3A, %mul3A_32] : memref<4x8192xi32, #tpu.memory_space<hbm>> -> memref<1x1024xi32, #tpu.memory_space<hbm>>
      %dma_wait3A_80 = tpu.memref_squeeze %dma_wait3A_79 : memref<1x1024xi32, #tpu.memory_space<hbm>> -> memref<1024xi32, #tpu.memory_space<hbm>>
      tpu.wait_dma2 semaphore(%run_scoped3A : memref<!tpu.dma_semaphore, #tpu.memory_space<semaphore_mem>>) src(%dma_wait3A_80 : memref<1024xi32, #tpu.memory_space<hbm>>) dst(%arg5 : memref<1024xi32, #tpu.memory_space<vmem>>)
      tpu.yield
    }) : () -> ()
    %dma_start3A = arith.constant 0 : i32
    %dma_start3A_33 = arith.constant 0 : i32
    %dma_start3A_34 = tpu.memref_slice %arg6[%dma_start3A, %dma_start3A_33] : memref<128x768xf32, #tpu.memory_space<vmem>> -> memref<32x768xf32, #tpu.memory_space<vmem>>
    %dma_start3A_35 = arith.constant 0 : i32
    %dma_start3A_36 = tpu.memref_slice %arg5[%dma_start3A_35] : memref<1024xi32, #tpu.memory_space<vmem>> -> memref<32xi32, #tpu.memory_space<vmem>>
    %dma_start3A_37 = arith.constant 0 : i32
    %dma_start3A_38 = arith.constant 0 : i32
    %dma_start3A_39 = tpu.memref_slice %arg2[%dma_start3A_37, %dma_start3A_38] : memref<100000x768xf32, #tpu.memory_space<hbm>> -> memref<100000x768xf32, #tpu.memory_space<hbm>>
    tpu.enqueue_indirect_dma source(%dma_start3A_39 : memref<100000x768xf32, #tpu.memory_space<hbm>>) target(%dma_start3A_34 : memref<32x768xf32, #tpu.memory_space<vmem>>) offsets(%dma_start3A_36 : memref<32xi32, #tpu.memory_space<vmem>>) semaphore(%arg7 : memref<!tpu.dma_semaphore, #tpu.memory_space<semaphore_mem>>)
    %dma_start3A_40 = arith.constant 32 : i32
    %dma_start3A_41 = arith.constant 0 : i32
    %dma_start3A_42 = tpu.memref_slice %arg6[%dma_start3A_40, %dma_start3A_41] : memref<128x768xf32, #tpu.memory_space<vmem>> -> memref<32x768xf32, #tpu.memory_space<vmem>>
    %dma_start3A_43 = arith.constant 32 : i32
    %dma_start3A_44 = tpu.memref_slice %arg5[%dma_start3A_43] : memref<1024xi32, #tpu.memory_space<vmem>> -> memref<32xi32, #tpu.memory_space<vmem>>
    %dma_start3A_45 = arith.constant 0 : i32
    %dma_start3A_46 = arith.constant 0 : i32
    %dma_start3A_47 = tpu.memref_slice %arg2[%dma_start3A_45, %dma_start3A_46] : memref<100000x768xf32, #tpu.memory_space<hbm>> -> memref<100000x768xf32, #tpu.memory_space<hbm>>
    tpu.enqueue_indirect_dma source(%dma_start3A_47 : memref<100000x768xf32, #tpu.memory_space<hbm>>) target(%dma_start3A_42 : memref<32x768xf32, #tpu.memory_space<vmem>>) offsets(%dma_start3A_44 : memref<32xi32, #tpu.memory_space<vmem>>) semaphore(%arg8 : memref<!tpu.dma_semaphore, #tpu.memory_space<semaphore_mem>>)
    %dma_start3A_48 = arith.constant 64 : i32
    %dma_start3A_49 = arith.constant 0 : i32
    %dma_start3A_50 = tpu.memref_slice %arg6[%dma_start3A_48, %dma_start3A_49] : memref<128x768xf32, #tpu.memory_space<vmem>> -> memref<32x768xf32, #tpu.memory_space<vmem>>
    %dma_start3A_51 = arith.constant 64 : i32
    %dma_start3A_52 = tpu.memref_slice %arg5[%dma_start3A_51] : memref<1024xi32, #tpu.memory_space<vmem>> -> memref<32xi32, #tpu.memory_space<vmem>>
    %dma_start3A_53 = arith.constant 0 : i32
    %dma_start3A_54 = arith.constant 0 : i32
    %dma_start3A_55 = tpu.memref_slice %arg2[%dma_start3A_53, %dma_start3A_54] : memref<100000x768xf32, #tpu.memory_space<hbm>> -> memref<100000x768xf32, #tpu.memory_space<hbm>>
    tpu.enqueue_indirect_dma source(%dma_start3A_55 : memref<100000x768xf32, #tpu.memory_space<hbm>>) target(%dma_start3A_50 : memref<32x768xf32, #tpu.memory_space<vmem>>) offsets(%dma_start3A_52 : memref<32xi32, #tpu.memory_space<vmem>>) semaphore(%arg9 : memref<!tpu.dma_semaphore, #tpu.memory_space<semaphore_mem>>)
    %scan3A = arith.constant 0 : i32
    %scan3A_56 = arith.constant 0 : i32
    %scan3A_57 = arith.constant 8 : i32
    %scan3A_58 = arith.addi %scan3A_56, %scan3A_57 : i32
    %scan3A_59 = arith.constant 1 : i32
    %scan3A_60 = scf.for %scan3A_73 = %scan3A_56 to %scan3A_58 step %scan3A_59 iter_args(%scan3A_74 = %scan3A) -> (i32)  : i32 {
      %mul3A_75 = arith.constant 4 : i32
      %mul3A_76 = arith.muli %scan3A_73, %mul3A_75 : i32
      %dma_wait3A_77 = arith.constant 0 : i32
      %dma_wait3A_78 = arith.constant 0 : i32
      %dma_wait3A_79 = tpu.memref_slice %arg6[%dma_wait3A_77, %dma_wait3A_78] : memref<128x768xf32, #tpu.memory_space<vmem>> -> memref<32x768xf32, #tpu.memory_space<vmem>>
      %dma_wait3A_80 = arith.constant 0 : i32
      %dma_wait3A_81 = tpu.memref_slice %arg5[%dma_wait3A_80] : memref<1024xi32, #tpu.memory_space<vmem>> -> memref<32xi32, #tpu.memory_space<vmem>>
      %dma_wait3A_82 = arith.constant 0 : i32
      %dma_wait3A_83 = arith.constant 0 : i32
      %dma_wait3A_84 = tpu.memref_slice %arg2[%dma_wait3A_82, %dma_wait3A_83] : memref<100000x768xf32, #tpu.memory_space<hbm>> -> memref<100000x768xf32, #tpu.memory_space<hbm>>
      tpu.wait_indirect_dma semaphore(%arg7 : memref<!tpu.dma_semaphore, #tpu.memory_space<semaphore_mem>>) src(%dma_wait3A_84 : memref<100000x768xf32, #tpu.memory_space<hbm>>) dst(%dma_wait3A_79 : memref<32x768xf32, #tpu.memory_space<vmem>>)
      %add3A_85 = arith.constant 0 : i32
      %add3A_86 = arith.addi %mul3A_76, %add3A_85 : i32
      %mul3A_87 = arith.constant 32 : i32
      %mul3A_88 = arith.muli %add3A_86, %mul3A_87 : i32
      %add3A_89 = arith.addi %mul3A_32, %mul3A_88 : i32
      %dma_start3A_90 = arith.constant 0 : i32
      %dma_start3A_91 = arith.constant 0 : i32
      %dma_start3A_92 = tpu.memref_slice %arg6[%dma_start3A_90, %dma_start3A_91] : memref<128x768xf32, #tpu.memory_space<vmem>> -> memref<32x768xf32, #tpu.memory_space<vmem>>
      %dma_start3A_93 = arith.constant 0 : i32
      %dma_start3A_94 = tpu.memref_slice %arg4[%select_n3A, %add3A_89, %dma_start3A_93] : memref<4x8192x768xf32, #tpu.memory_space<hbm>> -> memref<1x32x768xf32, #tpu.memory_space<hbm>>
      %dma_start3A_95 = tpu.memref_squeeze %dma_start3A_94 : memref<1x32x768xf32, #tpu.memory_space<hbm>> -> memref<32x768xf32, #tpu.memory_space<hbm>>
      %dma_start3A_96 = arith.constant 0 : i32
      %dma_start3A_97 = tpu.memref_slice %arg4[%select_n3A, %add3A_89, %dma_start3A_96] : memref<4x8192x768xf32, #tpu.memory_space<hbm>> -> memref<1x32x768xf32, #tpu.memory_space<hbm>>
      %dma_start3A_98 = tpu.memref_squeeze %dma_start3A_97 : memref<1x32x768xf32, #tpu.memory_space<hbm>> -> memref<32x768xf32, #tpu.memory_space<hbm>>
      %dma_start3A_99 = arith.constant 0 : i32
      %dma_start3A_100 = arith.constant 0 : i32
      %dma_start3A_101 = tpu.memref_slice %arg6[%dma_start3A_99, %dma_start3A_100] : memref<128x768xf32, #tpu.memory_space<vmem>> -> memref<32x768xf32, #tpu.memory_space<vmem>>
      tpu.enqueue_dma source(%dma_start3A_101 : memref<32x768xf32, #tpu.memory_space<vmem>>) target(%dma_start3A_98 : memref<32x768xf32, #tpu.memory_space<hbm>>) target_semaphore(%arg11 : memref<!tpu.dma_semaphore, #tpu.memory_space<semaphore_mem>>)
      %gt3A = arith.constant 0 : i32
      %gt3A_102 = arith.cmpi sgt, %scan3A_73, %gt3A : i32
      %convert_element_type3A = arith.extui %gt3A_102 : i1 to i32
      %cond3A = arith.constant 0 : i32
      %cond3A_103 = arith.cmpi ne, %convert_element_type3A, %cond3A : i32
      scf.if %cond3A_103 {
        %dma_wait3A_264 = arith.constant 96 : i32
        %dma_wait3A_265 = arith.constant 0 : i32
        %dma_wait3A_266 = tpu.memref_slice %arg6[%dma_wait3A_264, %dma_wait3A_265] : memref<128x768xf32, #tpu.memory_space<vmem>> -> memref<32x768xf32, #tpu.memory_space<vmem>>
        %dma_wait3A_267 = arith.constant 0 : i32
        %dma_wait3A_268 = tpu.memref_slice %arg4[%select_n3A, %mul3A_32, %dma_wait3A_267] : memref<4x8192x768xf32, #tpu.memory_space<hbm>> -> memref<1x32x768xf32, #tpu.memory_space<hbm>>
        %dma_wait3A_269 = tpu.memref_squeeze %dma_wait3A_268 : memref<1x32x768xf32, #tpu.memory_space<hbm>> -> memref<32x768xf32, #tpu.memory_space<hbm>>
        %dma_wait3A_270 = arith.constant 0 : i32
        %dma_wait3A_271 = tpu.memref_slice %arg4[%select_n3A, %mul3A_32, %dma_wait3A_270] : memref<4x8192x768xf32, #tpu.memory_space<hbm>> -> memref<1x32x768xf32, #tpu.memory_space<hbm>>
        %dma_wait3A_272 = tpu.memref_squeeze %dma_wait3A_271 : memref<1x32x768xf32, #tpu.memory_space<hbm>> -> memref<32x768xf32, #tpu.memory_space<hbm>>
        %dma_wait3A_273 = arith.constant 96 : i32
        %dma_wait3A_274 = arith.constant 0 : i32
        %dma_wait3A_275 = tpu.memref_slice %arg6[%dma_wait3A_273, %dma_wait3A_274] : memref<128x768xf32, #tpu.memory_space<vmem>> -> memref<32x768xf32, #tpu.memory_space<vmem>>
        tpu.wait_dma2 semaphore(%arg14 : memref<!tpu.dma_semaphore, #tpu.memory_space<semaphore_mem>>) src(%dma_wait3A_275 : memref<32x768xf32, #tpu.memory_space<vmem>>) dst(%dma_wait3A_272 : memref<32x768xf32, #tpu.memory_space<hbm>>)
      } else {
      }
      %add3A_104 = arith.constant 0 : i32
      %add3A_105 = arith.addi %mul3A_76, %add3A_104 : i32
      %add3A_106 = arith.constant 4 : i32
      %add3A_107 = arith.addi %add3A_105, %add3A_106 : i32
      %sub3A_108 = arith.constant 1 : i32
      %sub3A_109 = arith.subi %add3A_107, %sub3A_108 : i32
      %mul3A_110 = arith.constant 32 : i32
      %mul3A_111 = arith.muli %sub3A_109, %mul3A_110 : i32
      %dma_start3A_112 = arith.constant 96 : i32
      %dma_start3A_113 = arith.constant 0 : i32
      %dma_start3A_114 = tpu.memref_slice %arg6[%dma_start3A_112, %dma_start3A_113] : memref<128x768xf32, #tpu.memory_space<vmem>> -> memref<32x768xf32, #tpu.memory_space<vmem>>
      %dma_start3A_115 = tpu.memref_slice %arg5[%mul3A_111] : memref<1024xi32, #tpu.memory_space<vmem>> -> memref<32xi32, #tpu.memory_space<vmem>>
      %dma_start3A_116 = arith.constant 0 : i32
      %dma_start3A_117 = arith.constant 0 : i32
      %dma_start3A_118 = tpu.memref_slice %arg2[%dma_start3A_116, %dma_start3A_117] : memref<100000x768xf32, #tpu.memory_space<hbm>> -> memref<100000x768xf32, #tpu.memory_space<hbm>>
      tpu.enqueue_indirect_dma source(%dma_start3A_118 : memref<100000x768xf32, #tpu.memory_space<hbm>>) target(%dma_start3A_114 : memref<32x768xf32, #tpu.memory_space<vmem>>) offsets(%dma_start3A_115 : memref<32xi32, #tpu.memory_space<vmem>>) semaphore(%arg10 : memref<!tpu.dma_semaphore, #tpu.memory_space<semaphore_mem>>)
      %dma_wait3A_119 = arith.constant 32 : i32
      %dma_wait3A_120 = arith.constant 0 : i32
      %dma_wait3A_121 = tpu.memref_slice %arg6[%dma_wait3A_119, %dma_wait3A_120] : memref<128x768xf32, #tpu.memory_space<vmem>> -> memref<32x768xf32, #tpu.memory_space<vmem>>
      %dma_wait3A_122 = arith.constant 0 : i32
      %dma_wait3A_123 = tpu.memref_slice %arg5[%dma_wait3A_122] : memref<1024xi32, #tpu.memory_space<vmem>> -> memref<32xi32, #tpu.memory_space<vmem>>
      %dma_wait3A_124 = arith.constant 0 : i32
      %dma_wait3A_125 = arith.constant 0 : i32
      %dma_wait3A_126 = tpu.memref_slice %arg2[%dma_wait3A_124, %dma_wait3A_125] : memref<100000x768xf32, #tpu.memory_space<hbm>> -> memref<100000x768xf32, #tpu.memory_space<hbm>>
      tpu.wait_indirect_dma semaphore(%arg8 : memref<!tpu.dma_semaphore, #tpu.memory_space<semaphore_mem>>) src(%dma_wait3A_126 : memref<100000x768xf32, #tpu.memory_space<hbm>>) dst(%dma_wait3A_121 : memref<32x768xf32, #tpu.memory_space<vmem>>)
      %add3A_127 = arith.constant 1 : i32
      %add3A_128 = arith.addi %mul3A_76, %add3A_127 : i32
      %mul3A_129 = arith.constant 32 : i32
      %mul3A_130 = arith.muli %add3A_128, %mul3A_129 : i32
      %add3A_131 = arith.addi %mul3A_32, %mul3A_130 : i32
      %dma_start3A_132 = arith.constant 32 : i32
      %dma_start3A_133 = arith.constant 0 : i32
      %dma_start3A_134 = tpu.memref_slice %arg6[%dma_start3A_132, %dma_start3A_133] : memref<128x768xf32, #tpu.memory_space<vmem>> -> memref<32x768xf32, #tpu.memory_space<vmem>>
      %dma_start3A_135 = arith.constant 0 : i32
      %dma_start3A_136 = tpu.memref_slice %arg4[%select_n3A, %add3A_131, %dma_start3A_135] : memref<4x8192x768xf32, #tpu.memory_space<hbm>> -> memref<1x32x768xf32, #tpu.memory_space<hbm>>
      %dma_start3A_137 = tpu.memref_squeeze %dma_start3A_136 : memref<1x32x768xf32, #tpu.memory_space<hbm>> -> memref<32x768xf32, #tpu.memory_space<hbm>>
      %dma_start3A_138 = arith.constant 0 : i32
      %dma_start3A_139 = tpu.memref_slice %arg4[%select_n3A, %add3A_131, %dma_start3A_138] : memref<4x8192x768xf32, #tpu.memory_space<hbm>> -> memref<1x32x768xf32, #tpu.memory_space<hbm>>
      %dma_start3A_140 = tpu.memref_squeeze %dma_start3A_139 : memref<1x32x768xf32, #tpu.memory_space<hbm>> -> memref<32x768xf32, #tpu.memory_space<hbm>>
      %dma_start3A_141 = arith.constant 32 : i32
      %dma_start3A_142 = arith.constant 0 : i32
      %dma_start3A_143 = tpu.memref_slice %arg6[%dma_start3A_141, %dma_start3A_142] : memref<128x768xf32, #tpu.memory_space<vmem>> -> memref<32x768xf32, #tpu.memory_space<vmem>>
      tpu.enqueue_dma source(%dma_start3A_143 : memref<32x768xf32, #tpu.memory_space<vmem>>) target(%dma_start3A_140 : memref<32x768xf32, #tpu.memory_space<hbm>>) target_semaphore(%arg12 : memref<!tpu.dma_semaphore, #tpu.memory_space<semaphore_mem>>)
      %dma_wait3A_144 = arith.constant 0 : i32
      %dma_wait3A_145 = arith.constant 0 : i32
      %dma_wait3A_146 = tpu.memref_slice %arg6[%dma_wait3A_144, %dma_wait3A_145] : memref<128x768xf32, #tpu.memory_space<vmem>> -> memref<32x768xf32, #tpu.memory_space<vmem>>
      %dma_wait3A_147 = arith.constant 0 : i32
      %dma_wait3A_148 = tpu.memref_slice %arg4[%select_n3A, %mul3A_32, %dma_wait3A_147] : memref<4x8192x768xf32, #tpu.memory_space<hbm>> -> memref<1x32x768xf32, #tpu.memory_space<hbm>>
      %dma_wait3A_149 = tpu.memref_squeeze %dma_wait3A_148 : memref<1x32x768xf32, #tpu.memory_space<hbm>> -> memref<32x768xf32, #tpu.memory_space<hbm>>
      %dma_wait3A_150 = arith.constant 0 : i32
      %dma_wait3A_151 = tpu.memref_slice %arg4[%select_n3A, %mul3A_32, %dma_wait3A_150] : memref<4x8192x768xf32, #tpu.memory_space<hbm>> -> memref<1x32x768xf32, #tpu.memory_space<hbm>>
      %dma_wait3A_152 = tpu.memref_squeeze %dma_wait3A_151 : memref<1x32x768xf32, #tpu.memory_space<hbm>> -> memref<32x768xf32, #tpu.memory_space<hbm>>
      %dma_wait3A_153 = arith.constant 0 : i32
      %dma_wait3A_154 = arith.constant 0 : i32
      %dma_wait3A_155 = tpu.memref_slice %arg6[%dma_wait3A_153, %dma_wait3A_154] : memref<128x768xf32, #tpu.memory_space<vmem>> -> memref<32x768xf32, #tpu.memory_space<vmem>>
      tpu.wait_dma2 semaphore(%arg11 : memref<!tpu.dma_semaphore, #tpu.memory_space<semaphore_mem>>) src(%dma_wait3A_155 : memref<32x768xf32, #tpu.memory_space<vmem>>) dst(%dma_wait3A_152 : memref<32x768xf32, #tpu.memory_space<hbm>>)
      %add3A_156 = arith.constant 1 : i32
      %add3A_157 = arith.addi %mul3A_76, %add3A_156 : i32
      %add3A_158 = arith.constant 4 : i32
      %add3A_159 = arith.addi %add3A_157, %add3A_158 : i32
      %sub3A_160 = arith.constant 1 : i32
      %sub3A_161 = arith.subi %add3A_159, %sub3A_160 : i32
      %lt3A_162 = arith.constant 7 : i32
      %lt3A_163 = arith.cmpi slt, %scan3A_73, %lt3A_162 : i32
      %convert_element_type3A_164 = arith.extui %lt3A_163 : i1 to i32
      %cond3A_165 = arith.constant 0 : i32
      %cond3A_166 = arith.cmpi ne, %convert_element_type3A_164, %cond3A_165 : i32
      scf.if %cond3A_166 {
        %mul3A_264 = arith.constant 32 : i32
        %mul3A_265 = arith.muli %sub3A_161, %mul3A_264 : i32
        %dma_start3A_266 = arith.constant 0 : i32
        %dma_start3A_267 = arith.constant 0 : i32
        %dma_start3A_268 = tpu.memref_slice %arg6[%dma_start3A_266, %dma_start3A_267] : memref<128x768xf32, #tpu.memory_space<vmem>> -> memref<32x768xf32, #tpu.memory_space<vmem>>
        %dma_start3A_269 = tpu.memref_slice %arg5[%mul3A_265] : memref<1024xi32, #tpu.memory_space<vmem>> -> memref<32xi32, #tpu.memory_space<vmem>>
        %dma_start3A_270 = arith.constant 0 : i32
        %dma_start3A_271 = arith.constant 0 : i32
        %dma_start3A_272 = tpu.memref_slice %arg2[%dma_start3A_270, %dma_start3A_271] : memref<100000x768xf32, #tpu.memory_space<hbm>> -> memref<100000x768xf32, #tpu.memory_space<hbm>>
        tpu.enqueue_indirect_dma source(%dma_start3A_272 : memref<100000x768xf32, #tpu.memory_space<hbm>>) target(%dma_start3A_268 : memref<32x768xf32, #tpu.memory_space<vmem>>) offsets(%dma_start3A_269 : memref<32xi32, #tpu.memory_space<vmem>>) semaphore(%arg7 : memref<!tpu.dma_semaphore, #tpu.memory_space<semaphore_mem>>)
      } else {
      }
      %dma_wait3A_167 = arith.constant 64 : i32
      %dma_wait3A_168 = arith.constant 0 : i32
      %dma_wait3A_169 = tpu.memref_slice %arg6[%dma_wait3A_167, %dma_wait3A_168] : memref<128x768xf32, #tpu.memory_space<vmem>> -> memref<32x768xf32, #tpu.memory_space<vmem>>
      %dma_wait3A_170 = arith.constant 0 : i32
      %dma_wait3A_171 = tpu.memref_slice %arg5[%dma_wait3A_170] : memref<1024xi32, #tpu.memory_space<vmem>> -> memref<32xi32, #tpu.memory_space<vmem>>
      %dma_wait3A_172 = arith.constant 0 : i32
      %dma_wait3A_173 = arith.constant 0 : i32
      %dma_wait3A_174 = tpu.memref_slice %arg2[%dma_wait3A_172, %dma_wait3A_173] : memref<100000x768xf32, #tpu.memory_space<hbm>> -> memref<100000x768xf32, #tpu.memory_space<hbm>>
      tpu.wait_indirect_dma semaphore(%arg9 : memref<!tpu.dma_semaphore, #tpu.memory_space<semaphore_mem>>) src(%dma_wait3A_174 : memref<100000x768xf32, #tpu.memory_space<hbm>>) dst(%dma_wait3A_169 : memref<32x768xf32, #tpu.memory_space<vmem>>)
      %add3A_175 = arith.constant 2 : i32
      %add3A_176 = arith.addi %mul3A_76, %add3A_175 : i32
      %mul3A_177 = arith.constant 32 : i32
      %mul3A_178 = arith.muli %add3A_176, %mul3A_177 : i32
      %add3A_179 = arith.addi %mul3A_32, %mul3A_178 : i32
      %dma_start3A_180 = arith.constant 64 : i32
      %dma_start3A_181 = arith.constant 0 : i32
      %dma_start3A_182 = tpu.memref_slice %arg6[%dma_start3A_180, %dma_start3A_181] : memref<128x768xf32, #tpu.memory_space<vmem>> -> memref<32x768xf32, #tpu.memory_space<vmem>>
      %dma_start3A_183 = arith.constant 0 : i32
      %dma_start3A_184 = tpu.memref_slice %arg4[%select_n3A, %add3A_179, %dma_start3A_183] : memref<4x8192x768xf32, #tpu.memory_space<hbm>> -> memref<1x32x768xf32, #tpu.memory_space<hbm>>
      %dma_start3A_185 = tpu.memref_squeeze %dma_start3A_184 : memref<1x32x768xf32, #tpu.memory_space<hbm>> -> memref<32x768xf32, #tpu.memory_space<hbm>>
      %dma_start3A_186 = arith.constant 0 : i32
      %dma_start3A_187 = tpu.memref_slice %arg4[%select_n3A, %add3A_179, %dma_start3A_186] : memref<4x8192x768xf32, #tpu.memory_space<hbm>> -> memref<1x32x768xf32, #tpu.memory_space<hbm>>
      %dma_start3A_188 = tpu.memref_squeeze %dma_start3A_187 : memref<1x32x768xf32, #tpu.memory_space<hbm>> -> memref<32x768xf32, #tpu.memory_space<hbm>>
      %dma_start3A_189 = arith.constant 64 : i32
      %dma_start3A_190 = arith.constant 0 : i32
      %dma_start3A_191 = tpu.memref_slice %arg6[%dma_start3A_189, %dma_start3A_190] : memref<128x768xf32, #tpu.memory_space<vmem>> -> memref<32x768xf32, #tpu.memory_space<vmem>>
      tpu.enqueue_dma source(%dma_start3A_191 : memref<32x768xf32, #tpu.memory_space<vmem>>) target(%dma_start3A_188 : memref<32x768xf32, #tpu.memory_space<hbm>>) target_semaphore(%arg13 : memref<!tpu.dma_semaphore, #tpu.memory_space<semaphore_mem>>)
      %dma_wait3A_192 = arith.constant 32 : i32
      %dma_wait3A_193 = arith.constant 0 : i32
      %dma_wait3A_194 = tpu.memref_slice %arg6[%dma_wait3A_192, %dma_wait3A_193] : memref<128x768xf32, #tpu.memory_space<vmem>> -> memref<32x768xf32, #tpu.memory_space<vmem>>
      %dma_wait3A_195 = arith.constant 0 : i32
      %dma_wait3A_196 = tpu.memref_slice %arg4[%select_n3A, %mul3A_32, %dma_wait3A_195] : memref<4x8192x768xf32, #tpu.memory_space<hbm>> -> memref<1x32x768xf32, #tpu.memory_space<hbm>>
      %dma_wait3A_197 = tpu.memref_squeeze %dma_wait3A_196 : memref<1x32x768xf32, #tpu.memory_space<hbm>> -> memref<32x768xf32, #tpu.memory_space<hbm>>
      %dma_wait3A_198 = arith.constant 0 : i32
      %dma_wait3A_199 = tpu.memref_slice %arg4[%select_n3A, %mul3A_32, %dma_wait3A_198] : memref<4x8192x768xf32, #tpu.memory_space<hbm>> -> memref<1x32x768xf32, #tpu.memory_space<hbm>>
      %dma_wait3A_200 = tpu.memref_squeeze %dma_wait3A_199 : memref<1x32x768xf32, #tpu.memory_space<hbm>> -> memref<32x768xf32, #tpu.memory_space<hbm>>
      %dma_wait3A_201 = arith.constant 32 : i32
      %dma_wait3A_202 = arith.constant 0 : i32
      %dma_wait3A_203 = tpu.memref_slice %arg6[%dma_wait3A_201, %dma_wait3A_202] : memref<128x768xf32, #tpu.memory_space<vmem>> -> memref<32x768xf32, #tpu.memory_space<vmem>>
      tpu.wait_dma2 semaphore(%arg12 : memref<!tpu.dma_semaphore, #tpu.memory_space<semaphore_mem>>) src(%dma_wait3A_203 : memref<32x768xf32, #tpu.memory_space<vmem>>) dst(%dma_wait3A_200 : memref<32x768xf32, #tpu.memory_space<hbm>>)
      %add3A_204 = arith.constant 2 : i32
      %add3A_205 = arith.addi %mul3A_76, %add3A_204 : i32
      %add3A_206 = arith.constant 4 : i32
      %add3A_207 = arith.addi %add3A_205, %add3A_206 : i32
      %sub3A_208 = arith.constant 1 : i32
      %sub3A_209 = arith.subi %add3A_207, %sub3A_208 : i32
      %lt3A_210 = arith.constant 7 : i32
      %lt3A_211 = arith.cmpi slt, %scan3A_73, %lt3A_210 : i32
      %convert_element_type3A_212 = arith.extui %lt3A_211 : i1 to i32
      %cond3A_213 = arith.constant 0 : i32
      %cond3A_214 = arith.cmpi ne, %convert_element_type3A_212, %cond3A_213 : i32
      scf.if %cond3A_214 {
        %mul3A_264 = arith.constant 32 : i32
        %mul3A_265 = arith.muli %sub3A_209, %mul3A_264 : i32
        %dma_start3A_266 = arith.constant 32 : i32
        %dma_start3A_267 = arith.constant 0 : i32
        %dma_start3A_268 = tpu.memref_slice %arg6[%dma_start3A_266, %dma_start3A_267] : memref<128x768xf32, #tpu.memory_space<vmem>> -> memref<32x768xf32, #tpu.memory_space<vmem>>
        %dma_start3A_269 = tpu.memref_slice %arg5[%mul3A_265] : memref<1024xi32, #tpu.memory_space<vmem>> -> memref<32xi32, #tpu.memory_space<vmem>>
        %dma_start3A_270 = arith.constant 0 : i32
        %dma_start3A_271 = arith.constant 0 : i32
        %dma_start3A_272 = tpu.memref_slice %arg2[%dma_start3A_270, %dma_start3A_271] : memref<100000x768xf32, #tpu.memory_space<hbm>> -> memref<100000x768xf32, #tpu.memory_space<hbm>>
        tpu.enqueue_indirect_dma source(%dma_start3A_272 : memref<100000x768xf32, #tpu.memory_space<hbm>>) target(%dma_start3A_268 : memref<32x768xf32, #tpu.memory_space<vmem>>) offsets(%dma_start3A_269 : memref<32xi32, #tpu.memory_space<vmem>>) semaphore(%arg8 : memref<!tpu.dma_semaphore, #tpu.memory_space<semaphore_mem>>)
      } else {
      }
      %dma_wait3A_215 = arith.constant 96 : i32
      %dma_wait3A_216 = arith.constant 0 : i32
      %dma_wait3A_217 = tpu.memref_slice %arg6[%dma_wait3A_215, %dma_wait3A_216] : memref<128x768xf32, #tpu.memory_space<vmem>> -> memref<32x768xf32, #tpu.memory_space<vmem>>
      %dma_wait3A_218 = arith.constant 0 : i32
      %dma_wait3A_219 = tpu.memref_slice %arg5[%dma_wait3A_218] : memref<1024xi32, #tpu.memory_space<vmem>> -> memref<32xi32, #tpu.memory_space<vmem>>
      %dma_wait3A_220 = arith.constant 0 : i32
      %dma_wait3A_221 = arith.constant 0 : i32
      %dma_wait3A_222 = tpu.memref_slice %arg2[%dma_wait3A_220, %dma_wait3A_221] : memref<100000x768xf32, #tpu.memory_space<hbm>> -> memref<100000x768xf32, #tpu.memory_space<hbm>>
      tpu.wait_indirect_dma semaphore(%arg10 : memref<!tpu.dma_semaphore, #tpu.memory_space<semaphore_mem>>) src(%dma_wait3A_222 : memref<100000x768xf32, #tpu.memory_space<hbm>>) dst(%dma_wait3A_217 : memref<32x768xf32, #tpu.memory_space<vmem>>)
      %add3A_223 = arith.constant 3 : i32
      %add3A_224 = arith.addi %mul3A_76, %add3A_223 : i32
      %mul3A_225 = arith.constant 32 : i32
      %mul3A_226 = arith.muli %add3A_224, %mul3A_225 : i32
      %add3A_227 = arith.addi %mul3A_32, %mul3A_226 : i32
      %dma_start3A_228 = arith.constant 96 : i32
      %dma_start3A_229 = arith.constant 0 : i32
      %dma_start3A_230 = tpu.memref_slice %arg6[%dma_start3A_228, %dma_start3A_229] : memref<128x768xf32, #tpu.memory_space<vmem>> -> memref<32x768xf32, #tpu.memory_space<vmem>>
      %dma_start3A_231 = arith.constant 0 : i32
      %dma_start3A_232 = tpu.memref_slice %arg4[%select_n3A, %add3A_227, %dma_start3A_231] : memref<4x8192x768xf32, #tpu.memory_space<hbm>> -> memref<1x32x768xf32, #tpu.memory_space<hbm>>
      %dma_start3A_233 = tpu.memref_squeeze %dma_start3A_232 : memref<1x32x768xf32, #tpu.memory_space<hbm>> -> memref<32x768xf32, #tpu.memory_space<hbm>>
      %dma_start3A_234 = arith.constant 0 : i32
      %dma_start3A_235 = tpu.memref_slice %arg4[%select_n3A, %add3A_227, %dma_start3A_234] : memref<4x8192x768xf32, #tpu.memory_space<hbm>> -> memref<1x32x768xf32, #tpu.memory_space<hbm>>
      %dma_start3A_236 = tpu.memref_squeeze %dma_start3A_235 : memref<1x32x768xf32, #tpu.memory_space<hbm>> -> memref<32x768xf32, #tpu.memory_space<hbm>>
      %dma_start3A_237 = arith.constant 96 : i32
      %dma_start3A_238 = arith.constant 0 : i32
      %dma_start3A_239 = tpu.memref_slice %arg6[%dma_start3A_237, %dma_start3A_238] : memref<128x768xf32, #tpu.memory_space<vmem>> -> memref<32x768xf32, #tpu.memory_space<vmem>>
      tpu.enqueue_dma source(%dma_start3A_239 : memref<32x768xf32, #tpu.memory_space<vmem>>) target(%dma_start3A_236 : memref<32x768xf32, #tpu.memory_space<hbm>>) target_semaphore(%arg14 : memref<!tpu.dma_semaphore, #tpu.memory_space<semaphore_mem>>)
      %dma_wait3A_240 = arith.constant 64 : i32
      %dma_wait3A_241 = arith.constant 0 : i32
      %dma_wait3A_242 = tpu.memref_slice %arg6[%dma_wait3A_240, %dma_wait3A_241] : memref<128x768xf32, #tpu.memory_space<vmem>> -> memref<32x768xf32, #tpu.memory_space<vmem>>
      %dma_wait3A_243 = arith.constant 0 : i32
      %dma_wait3A_244 = tpu.memref_slice %arg4[%select_n3A, %mul3A_32, %dma_wait3A_243] : memref<4x8192x768xf32, #tpu.memory_space<hbm>> -> memref<1x32x768xf32, #tpu.memory_space<hbm>>
      %dma_wait3A_245 = tpu.memref_squeeze %dma_wait3A_244 : memref<1x32x768xf32, #tpu.memory_space<hbm>> -> memref<32x768xf32, #tpu.memory_space<hbm>>
      %dma_wait3A_246 = arith.constant 0 : i32
      %dma_wait3A_247 = tpu.memref_slice %arg4[%select_n3A, %mul3A_32, %dma_wait3A_246] : memref<4x8192x768xf32, #tpu.memory_space<hbm>> -> memref<1x32x768xf32, #tpu.memory_space<hbm>>
      %dma_wait3A_248 = tpu.memref_squeeze %dma_wait3A_247 : memref<1x32x768xf32, #tpu.memory_space<hbm>> -> memref<32x768xf32, #tpu.memory_space<hbm>>
      %dma_wait3A_249 = arith.constant 64 : i32
      %dma_wait3A_250 = arith.constant 0 : i32
      %dma_wait3A_251 = tpu.memref_slice %arg6[%dma_wait3A_249, %dma_wait3A_250] : memref<128x768xf32, #tpu.memory_space<vmem>> -> memref<32x768xf32, #tpu.memory_space<vmem>>
      tpu.wait_dma2 semaphore(%arg13 : memref<!tpu.dma_semaphore, #tpu.memory_space<semaphore_mem>>) src(%dma_wait3A_251 : memref<32x768xf32, #tpu.memory_space<vmem>>) dst(%dma_wait3A_248 : memref<32x768xf32, #tpu.memory_space<hbm>>)
      %add3A_252 = arith.constant 3 : i32
      %add3A_253 = arith.addi %mul3A_76, %add3A_252 : i32
      %add3A_254 = arith.constant 4 : i32
      %add3A_255 = arith.addi %add3A_253, %add3A_254 : i32
      %sub3A_256 = arith.constant 1 : i32
      %sub3A_257 = arith.subi %add3A_255, %sub3A_256 : i32
      %lt3A_258 = arith.constant 7 : i32
      %lt3A_259 = arith.cmpi slt, %scan3A_73, %lt3A_258 : i32
      %convert_element_type3A_260 = arith.extui %lt3A_259 : i1 to i32
      %cond3A_261 = arith.constant 0 : i32
      %cond3A_262 = arith.cmpi ne, %convert_element_type3A_260, %cond3A_261 : i32
      scf.if %cond3A_262 {
        %mul3A_264 = arith.constant 32 : i32
        %mul3A_265 = arith.muli %sub3A_257, %mul3A_264 : i32
        %dma_start3A_266 = arith.constant 64 : i32
        %dma_start3A_267 = arith.constant 0 : i32
        %dma_start3A_268 = tpu.memref_slice %arg6[%dma_start3A_266, %dma_start3A_267] : memref<128x768xf32, #tpu.memory_space<vmem>> -> memref<32x768xf32, #tpu.memory_space<vmem>>
        %dma_start3A_269 = tpu.memref_slice %arg5[%mul3A_265] : memref<1024xi32, #tpu.memory_space<vmem>> -> memref<32xi32, #tpu.memory_space<vmem>>
        %dma_start3A_270 = arith.constant 0 : i32
        %dma_start3A_271 = arith.constant 0 : i32
        %dma_start3A_272 = tpu.memref_slice %arg2[%dma_start3A_270, %dma_start3A_271] : memref<100000x768xf32, #tpu.memory_space<hbm>> -> memref<100000x768xf32, #tpu.memory_space<hbm>>
        tpu.enqueue_indirect_dma source(%dma_start3A_272 : memref<100000x768xf32, #tpu.memory_space<hbm>>) target(%dma_start3A_268 : memref<32x768xf32, #tpu.memory_space<vmem>>) offsets(%dma_start3A_269 : memref<32xi32, #tpu.memory_space<vmem>>) semaphore(%arg9 : memref<!tpu.dma_semaphore, #tpu.memory_space<semaphore_mem>>)
      } else {
      }
      %scan3A_263 = arith.constant 0 : i32
      scf.yield %scan3A_263 : i32
    }
    %scan3A_61 = arith.constant 8 : i32
    %dma_wait3A = arith.constant 96 : i32
    %dma_wait3A_62 = arith.constant 0 : i32
    %dma_wait3A_63 = tpu.memref_slice %arg6[%dma_wait3A, %dma_wait3A_62] : memref<128x768xf32, #tpu.memory_space<vmem>> -> memref<32x768xf32, #tpu.memory_space<vmem>>
    %dma_wait3A_64 = arith.constant 0 : i32
    %dma_wait3A_65 = tpu.memref_slice %arg4[%select_n3A, %mul3A_32, %dma_wait3A_64] : memref<4x8192x768xf32, #tpu.memory_space<hbm>> -> memref<1x32x768xf32, #tpu.memory_space<hbm>>
    %dma_wait3A_66 = tpu.memref_squeeze %dma_wait3A_65 : memref<1x32x768xf32, #tpu.memory_space<hbm>> -> memref<32x768xf32, #tpu.memory_space<hbm>>
    %dma_wait3A_67 = arith.constant 0 : i32
    %dma_wait3A_68 = tpu.memref_slice %arg4[%select_n3A, %mul3A_32, %dma_wait3A_67] : memref<4x8192x768xf32, #tpu.memory_space<hbm>> -> memref<1x32x768xf32, #tpu.memory_space<hbm>>
    %dma_wait3A_69 = tpu.memref_squeeze %dma_wait3A_68 : memref<1x32x768xf32, #tpu.memory_space<hbm>> -> memref<32x768xf32, #tpu.memory_space<hbm>>
    %dma_wait3A_70 = arith.constant 96 : i32
    %dma_wait3A_71 = arith.constant 0 : i32
    %dma_wait3A_72 = tpu.memref_slice %arg6[%dma_wait3A_70, %dma_wait3A_71] : memref<128x768xf32, #tpu.memory_space<vmem>> -> memref<32x768xf32, #tpu.memory_space<vmem>>
    tpu.wait_dma2 semaphore(%arg14 : memref<!tpu.dma_semaphore, #tpu.memory_space<semaphore_mem>>) src(%dma_wait3A_72 : memref<32x768xf32, #tpu.memory_space<vmem>>) dst(%dma_wait3A_69 : memref<32x768xf32, #tpu.memory_space<hbm>>)
    return
  }
}

</mosaic_0001>

<sc_bundles>
// kernel: _embed.3.cloned.1.call-start
scs
__scs_entry_jumppad:
0x0: {  	(pc) =	sbr.rel $0x88, $3  }
0x1: {  	(tag) =	ssettag $0x0;
	lr =	simm.s32 $0x1  }
0x2: {  	[smem:$0x3F9F] =	sst lr;
	_ =	strace $0xD0000000  }
0x3: {  	_ = 	snop  }
0x4: {  	_ = 	snop  }
0x5: {  	_ = 	snop  }
0x6: {  	_ = 	snop  }
0x7: {  	_ = 	snop  }
__scs_overlays_trampoline_lowered:
0x8: {  	[smem:$0x3FAE] =	sst s0  }
0x9: {  	[smem:$0x3FAF] =	sst s1  }
0xa: {  	[smem:$0x3FB0] =	sst s2  }
0xb: {  	[smem:$0x3FB1] =	sst s3  }
0xc: {  	[smem:$0x3FB2] =	sst s4  }
0xd: {  	[smem:$0x3FB3] =	sst s5  }
0xe: {  	[smem:$0x3FB4] =	sst s6  }
0xf: {  	[smem:$0x3FB5] =	sst s7  }
0x10: {  	[smem:$0x3FB6] =	sst s8  }
0x11: {  	[smem:$0x3FB7] =	sst s9;
	s0 =	simm.s32 @!p0 $0x0  }
0x12: {  	s1 =	sld [smem:$0x3F9D];
	s0 =	simm.s32 @p0 $0x1  }
0x13: {  	[smem:$0x3FB8] =	sst s0;
	s0 =	simm.s32 @!p1 $0x0  }
0x14: {  	s2 =	sld [smem:$0x3F9C];
	s0 =	simm.s32 @p1 $0x1  }
0x15: {  	[smem:$0x3FB9] =	sst s0;
	s0 =	simm.s32 @!p2 $0x0  }
0x16: {  	s3 =	sld [smem:$0x3FDB];
	s0 =	simm.s32 @p2 $0x1  }
0x17: {  	s4 =	simm.s32 $0x1BF5;
	[smem:$0x3FBB] =	sst s0  }
0x18: {  	s0 =	sld [smem:$0x3F9E];
	_ =	swait.ge [sflag:s4], $0x0  }
0x19: {  	s7 =	sld [smem:$0x3F9F]  }
0x1a: {  	s8 =	sadd.s32 $0xFFFFE003, lr  }
0x1b: {  	s9 =	sadd.s32 $0xFFFFFEF7, lr;
	s5 =	simm.s32 $0xFFFFFFFF;
	p2 =	slt.u32 s8, $0xFFFFF086  }
0x1c: {  	p1 =	slt.u32 s9, $0xF7A;
	s5 =	simm.s32 @!p2 $0x0  }
0x1d: {  	s5 =	simm.s32 @p1 $0x1;
	p0 =	seq.s32 s7, s2  }
0x1e: {  	s7 =	smul.u32 @!p0 $0xF7A, s2;
	p2 =	seq.s32 @!p0 s5, $0x0  }
0x1f: {  	s9 =	smul.u32 $0xF7A, s1;
	s8 =	simm.s32 @!p0 $0x1BF5;
	p2 =	por !p2, p0  }
0x20: {  	[sflag:s8] =	ssyncset.s32 @!p0 $0xFFFFF086;
	s6 =	sadd.s32 @!p0 s3, s7;
	s7 =	simm.s32 @!p0 $0x108  }
0x21: {  	s3 =	sadd.s32 s3, s9;
	s6 =	sadd.s32 @!p0 $0x88, s6;
	s7 =	simm.s32 @p2 $0x1082  }
0x22: {  	[simem:s7], [sflag:s8] =	dma.local @!p0 [hbm:s6], $0xF7A  }
0x23: {  	s9 =	sor.u32 $0xD0000000, s2;
	s6 =	simm.s32 $0x108;
	_ =	swait.ge @!p0 [sflag:s8], $0x0  }
0x24: {  	s3 =	sadd.s32 $0x88, s3;
	s6 =	simm.s32 @!p1 $0x1082;
	[sflag:s4] =	ssyncset.s32 $0xFFFFF086  }
0x25: {  	[simem:s6], [sflag:s4] =	dma.local [hbm:s3], $0xF7A  }
0x26: {  	[smem:$0x3F9F] =	sst s1;
	(tag) =	ssettag s2;
	_ =	strace s9  }
0x27: {  	s1 =	sld [smem:$0x3FAF]  }
0x28: {  	s2 =	sld [smem:$0x3FB0]  }
0x29: {  	s4 =	sld [smem:$0x3FB2]  }
0x2a: {  	p0 =	seq.s32 s5, $0x0;
	s5 =	sld [smem:$0x3FB3]  }
0x2b: {  	s6 =	sld [smem:$0x3FB4]  }
0x2c: {  	s7 =	sld [smem:$0x3FB5]  }
0x2d: {  	s3 =	simm.s32 $0x108;
	s8 =	sld [smem:$0x3FB6]  }
0x2e: {  	s3 =	simm.s32 @!p0 $0x1082;
	s9 =	sld [smem:$0x3FB7]  }
0x2f: {  	lr =	sadd.s32 s0, s3;
	s0 =	sld [smem:$0x3FAE]  }
0x30: {  	s3 =	sld [smem:$0x3FB1]  }
0x31: {  	[smem:$0x3FBA] =	sst s10  }
0x32: {  	s10 =	sld [smem:$0x3FB8];
	_ =	sdelay $0x3  }
0x33: {  	p0 =	seq.s32 s10, $0x1;
	s10 =	sld [smem:$0x3FBA];
	_ =	sdelay $0x3  }
0x34: {  	[smem:$0x3FBA] =	sst s10  }
0x35: {  	s10 =	sld [smem:$0x3FB9];
	_ =	sdelay $0x3  }
0x36: {  	p1 =	seq.s32 s10, $0x1;
	s10 =	sld [smem:$0x3FBA];
	_ =	sdelay $0x3  }
0x37: {  	[smem:$0x3FBA] =	sst s10  }
0x38: {  	s10 =	sld [smem:$0x3FBB]  }
0x39: {  	_ = 	snop;
	(pc) =	sbr.ind lr, $3  }
0x3a: {  	_ = 	snop  }
0x3b: {  	_ = 	snop  }
0x3c: {  	p2 =	seq.s32 s10, $0x1;
	s10 =	sld [smem:$0x3FBA]  }
0x3d: {  	_ =	shalt  }
0x3e: {  	_ =	shalt  }
0x3f: {  	_ =	shalt  }
0x40: {  	_ =	shalt  }
0x41: {  	_ =	shalt  }
0x42: {  	_ =	shalt  }
0x43: {  	_ =	shalt  }
0x44: {  	_ =	shalt  }
0x45: {  	_ =	shalt  }
0x46: {  	_ =	shalt  }
0x47: {  	_ =	shalt  }
0x48: {  	_ =	shalt  }
0x49: {  	_ =	shalt  }
0x4a: {  	_ =	shalt  }
0x4b: {  	_ =	shalt  }
0x4c: {  	_ =	shalt  }
0x4d: {  	_ =	shalt  }
0x4e: {  	_ =	shalt  }
0x4f: {  	_ =	shalt  }
0x50: {  	_ =	shalt  }
0x51: {  	_ =	shalt  }
0x52: {  	_ =	shalt  }
0x53: {  	_ =	shalt  }
0x54: {  	_ =	shalt  }
0x55: {  	_ =	shalt  }
0x56: {  	_ =	shalt  }
0x57: {  	_ =	shalt  }
0x58: {  	_ =	shalt  }
0x59: {  	_ =	shalt  }
0x5a: {  	_ =	shalt  }
0x5b: {  	_ =	shalt  }
0x5c: {  	_ =	shalt  }
0x5d: {  	_ =	shalt  }
0x5e: {  	_ =	shalt  }
0x5f: {  	_ =	shalt  }
0x60: {  	_ =	shalt  }
0x61: {  	_ =	shalt  }
0x62: {  	_ =	shalt  }
0x63: {  	_ =	shalt  }
0x64: {  	_ =	shalt  }
0x65: {  	_ =	shalt  }
0x66: {  	_ =	shalt  }
0x67: {  	_ =	shalt  }
0x68: {  	_ =	shalt  }
0x69: {  	_ =	shalt  }
0x6a: {  	_ =	shalt  }
0x6b: {  	_ =	shalt  }
0x6c: {  	_ =	shalt  }
0x6d: {  	_ =	shalt  }
0x6e: {  	_ =	shalt  }
0x6f: {  	_ =	shalt  }
0x70: {  	_ =	shalt  }
0x71: {  	_ =	shalt  }
0x72: {  	_ =	shalt  }
0x73: {  	_ =	shalt  }
0x74: {  	_ =	shalt  }
0x75: {  	_ =	shalt  }
0x76: {  	_ =	shalt  }
0x77: {  	_ =	shalt  }
0x78: {  	_ =	shalt  }
0x79: {  	_ =	shalt  }
0x7a: {  	_ =	shalt  }
0x7b: {  	_ =	shalt  }
0x7c: {  	_ =	shalt  }
0x7d: {  	_ =	shalt  }
0x7e: {  	_ =	shalt  }
0x7f: {  	_ =	shalt  }
0x80: {  	_ =	shalt  }
0x81: {  	_ =	shalt  }
0x82: {  	_ =	shalt  }
0x83: {  	_ =	shalt  }
0x84: {  	_ =	shalt  }
0x85: {  	_ =	shalt  }
0x86: {  	_ =	shalt  }
0x87: {  	_ =	shalt  }
.Lfunc_end0:
.L_simem_size_0:
called_computation_lowered:
.L_overlay_start_0:
0x88: {  	s2 =	sld [smem:$0x3FD9]  }
0x89: {  	s3 =	sld [smem:$0x3FFE];
	_ =	sdelay $0x1  }
0x8a: {  	s1 =	srdreg.scid  }
0x8b: {  	s0 =	sand.u32 $0x1, s1  }
0x8c: {  	s18 =	sshll.u32 s0, $0xA;
	s2 =	sadd.s32 s3, s2  }
0x8d: {  	s2 =	sadd.s32 s2, s18  }
0x8e: {  	[smem:$0x3FC6] =	sst s2  }
0x8f: {  	_ = 	snop  }
0x90: {  	s2 =	sld [smem:$0x3FC9]  }
0x91: {  	s19 =	sld [smem:$0x3FC8]  }
0x92: {  	s4 =	sld [smem:$0x3FD0];
	(tm) =	ssettm $0x1  }
0x93: {  	s5 =	sld [smem:$0x3FFB];
	_ =	sdelay $0x3  }
0x94: {  	_ =	strace s5  }
0x95: {  	s5 =	sld [smem:$0x3FFC];
	_ =	sdelay $0x3  }
0x96: {  	_ =	strace s5  }
0x97: {  	s5 =	sld [smem:$0x3FFD];
	_ =	sdelay $0x3  }
0x98: {  	_ =	strace s5  }
0x99: {  	_ =	strace $0x8FFFFFFF  }
0x9a: {  	s20 =	sld [smem:$0x3FDB];
	_ =	sdelay $0x1  }
0x9b: {  	s6 =	simm.s32 $_scs_section_size  }
0x9c: {  	s7 =	simm.s32 $_size__tile_overlayer_lowered;
	s8 =	simm.s32 $_tile_overlayer_lowered  }
0x9d: {  	s23 =	simm.s32 $0x1BFF;
	s22 =	sshll.u32 s8, $0x1;
	s5 =	sadd.s32 s6, s20  }
0x9e: {  	s9 =	simm.s32 $0x0;
	s21 =	sshll.u32 s7, $0x1;
	s7 =	sadd.s32 s22, s5  }
0x9f: {  	[timem:s9], [sflag:s23] =	dma.local [hbm:s7], s21  }
0xa0: {  	_ =	swait.ge [sflag:s23], s21  }
0xa1: {  	s6 =	ssub.s32 $0x0, s21;
	[sflag:s23] =	ssyncset.done $0x0  }
0xa2: {  	[sflag:s23] =	ssyncadd.s32 s6;
	_ =	sdelay $0x1  }
0xa3: {  	s24 =	simm.s32 $0x1B8B  }
0xa4: {  	_ =	swait.ge [sflag:s24], $0x1  }
0xa5: {  	[sflag:s24] =	ssyncset.done $0x0  }
0xa6: {  	s25 =	simm.s32 $0x1B8E;
	[sflag:s24] =	ssyncadd.s32 $0xFFFFFFFF  }
0xa7: {  	s26 =	simm.s32 $execute0_lowered;
	[smem:$0x3FD2] =	sst s25  }
0xa8: {  	s6 =	sshll.u32 s26, $0x1;
	_ =	strace $0x80000046;
	[dreg:$0x1] =	wrdreg $0xFFFFFFFF  }
0xa9: {  	s28 =	simm.s32 $_size_execute0_lowered;
	s5 =	sadd.s32 s5, s6;
	[dreg:$0x0] =	wrdreg $0x0  }
0xaa: {  	s6 =	sshll.u32 s28, $0x1;
	[dreg:$0x2] =	wrdreg s5  }
0xab: {  	[dreg:$0x3] =	wrdreg s6  }
0xac: {  	[dreg:$0x4] =	wrdreg $0xC0  }
0xad: {  	_ =	task [dreg:s9], $0x5FFFF  }
0xae: {  	[dreg:$0x1] =	wrdreg $0xFFFFFFFF  }
0xaf: {  	[dreg:$0x0] =	wrdreg $0x60  }
0xb0: {  	[dreg:$0x2] =	wrdreg s19  }
0xb1: {  	[dreg:$0x3] =	wrdreg s2  }
0xb2: {  	[dreg:$0x4] =	wrdreg s4  }
0xb3: {  	[dreg:$0x5] =	wrdreg $0x9  }
0xb4: {  	_ =	task.clear_ibuf [dreg:s9], $0x6FFFF;
	_ =	strace $0x90000046  }
0xb5: {  	s29 =	simm.s32 $0x9;
	_ =	strace $0x80000048  }
0xb6: {  	_ =	swait.ge [sflag:s29], $0x1  }
0xb7: {  	[sflag:s29] =	ssyncadd.s32 $0xFFFFFFFF  }
0xb8: {  	_ =	strace $0x90000048  }
0xb9: {  	_ =	sfence  }
0xba: {  	s30 =	sld [smem:$0x0];
	_ =	sdelay $0x2  }
0xbb: {  	s31 =	sshll.u32 s1, $0xD;
	s1 =	sshrl.u32 s1, $0x2  }
0xbc: {  	s3 =	sand.u32 $0x4000, s31;
	s1 =	sadd.s32 s1, s30  }
0xbd: {  	s0 =	sor.u32 s3, s0;
	s1 =	sshll.u32 s1, $0x11  }
0xbe: {  	s0 =	sor.u32 s1, s0  }
0xbf: {  	s0 =	sadd.s32 $0x8F2B, s0  }
0xc0: {  	[sflag:s0] =	ssyncadd.remote.s32 $0x1  }
0xc1: {  	_ =	sfence.sel $0xFFFF  }
0xc2: {  	[dreg:$0x0] =	wrdreg $0xFFFFFFFF;
	(pc) =	sbr.abs _section_cstart, $3  }
0xc3: {  	[dreg:$0x1] =	wrdreg $0xFFFFFFFF  }
0xc4: {  	_ =	task.clear_ibuf [dreg:s9], $0x2FFFF;
	_ =	strace $0x9FFFFFFF  }
0xc5: {  	(tm) =	ssettm $0x7FFFFFFF  }
tec
execute0_lowered:
.L_overlay_start_1:
0x0: {  	(tag) =	ssettag $0x1  }
0x1: {  	s0 =	srdreg.scid;
	s3 =	stileid.u32  }
0x2: {  	s7 =	rddreg [dreg:$0x1];
	s5 =	simm.s32 $0x1;
	s4 =	simm.s32 $0x0  }
0x3: {  	s18 =	simm.s32 $0xC400;
	s11 =	simm.s32 $0x13400;
	s12 =	simm.s32 $0x13C00  }
0x4: {  	s15 =	simm.s32 $0x14400;
	s16 =	simm.s32 $0x14C00;
	s17 =	simm.s32 $0x15400  }
0x5: {  	s13 =	simm.s32 $0x16C00;
	s14 =	simm.s32 $0x17400;
	s26 =	simm.s32 $0x17C00  }
0x6: {  	s19 =	simm.s32 $0x2;
	s20 =	simm.s32 $0x5;
	s21 =	simm.s32 $0x3  }
0x7: {  	s22 =	simm.s32 $0x6;
	s23 =	simm.s32 $0x4;
	s0 =	sand.u32 $0x1, s0  }
0x8: {  	s24 =	simm.s32 $0x7;
	s29 =	simm.s32 $0x0;
	s1 =	sshll.u32 s0, $0x4  }
0x9: {  	s6 =	sand.u32 $0x7, s3;
	[smem:$0x7FF] =	sst s4;
	s2 =	sor.u32 s3, s1  }
0xa: {  	p1 =	sne.s32 s6, $0x0;
	s8 =	sshll.u32 s6, $0xC;
	p0 =	seq.s32 s2, $0x0  }
0xb: {  	s0 =	ssub.s32 $0x2, s0;
	s6 =	smul.u32 $0xC0000, s6;
	p0 =	por !p1, !p0  }
0xc: {  	s1 =	rddreg [dreg:$0x0];
	s31 =	sshrl.u32 s0, $0x1;
	p0 =	por !p0, !p0  }
0xd: {  	s2 =	sshrl.u32 s2, $0x3;
	s0 =	ssub.s32 s0, s31;
	s5 =	simm.s32 @!p0 $0x0  }
0xe: {  	s3 =	rddreg [dreg:$0x2];
	s0 =	smax.u32 s0, $0x1;
	s2 =	ssub.s32 s2, s5  }
0xf: {  	_ =	strace $0x80000047;
	[dreg:$0x5] =	wrdreg s0;
	s5 =	sshll.u32 s2, $0xD  }
0x10: {  	s9 =	sshll.u32 s2, $0x7;
	s2 =	smul.u32 $0x600000, s2;
	s5 =	sand.u32 $0xFFFF8000, s5  }
.Ltmp0:
0x11: {  	s30 =	sand.u32 $0x180, s9;
	s5 =	sor.u32 s8, s5;
	(pc) =	sbr.rel .LBB2_1-.Ltmp0, $4  }
0x12: {  	s0 =	simm.s32 $0x12C00;
	s9 =	simm.s32 $0x16400;
	s5 =	sor.u32 s30, s5  }
0x13: {  	v2 =	vlaneseq.u32;
	s10 =	sadd.s32 s6, s2;
	s2 =	simm.s32 $0x12400;
	s8 =	sshrl.u32 s5, $0x3  }
0x14: {  	vm0 =	vmmov $0xffff;
	v1 =	vshrl.u32 v2, $0x3;
	s6 =	simm.s32 $0x15C00;
	s5 =	simm.s32 $0x1;
	s7 =	sadd.s32 s7, s8  }
0x15: {  	v0 =	vand.u32 $0x7, v2;
	v2 =	vor.u32 $0x8, v2;
	v1 =	vmul.u32 $0x8, v1;
	s8 =	sadd.s32 $0x200, s1;
	[dreg:$0x4] =	wrdreg s7;
	s7 =	sadd.s32 $0x100, s1  }
.LBB2_4:
0x16: {  	s28 =	simm.s32 $0x8  }
0x17: {  	_ =	swait.ge [sflag:s28], $0x6000  }
0x18: {  	s29 =	rddreg [dreg:$0x6]  }
0x19: {  	s25 =	rddreg [dreg:$0x5];
	s29 =	sadd.s32 $0x1, s29  }
0x1a: {  	p0 =	sne.s32 s29, s25  }
.Ltmp1:
0x1b: {  	_ = 	snop;
	(pc) =	sbr.rel @!p0 .LBB2_5-.Ltmp1, $3  }
0x1c: {  	_ =	sdelay $0x1  }
0x1d: {  	[sflag:s28] =	ssyncset.done $0x0  }
0x1e: {  	[sflag:s28] =	ssyncadd.s32 $0xFFFFA000  }
.LBB2_1:
0x1f: {  	[dreg:$0x6] =	wrdreg s29  }
0x20: {  	s25 =	rddreg [dreg:$0x4]  }
0x21: {  	s28 =	simm.s32 $0x80;
	s31 =	simm.s32 $0x200;
	s29 =	simm.s32 $0x9  }
0x22: {  	[tilespmem:s4], [sflag:$0x9] =	stream.strided.gather [hbm4b:s25+s28], $0x400, s31, s28, $0x38;
	[tilespmem:$0x18400] =	vst v63  }
0x23: {  	_ =	swait.ge [sflag:s29], $0x400  }
0x24: {  	[sflag:s29] =	ssyncset.done $0x0  }
0x25: {  	[sflag:s29] =	ssyncadd.s32 $0xFFFFFC00  }
0x26: {  	v3 =	vld [tilespmem:$0x0];
	_ =	sdelay $0x4  }
0x27: {  	v4 =	vshrl.u32 v3, $0x3  }
0x28: {  	v4 =	vmul.u32 $0x30, v4  }
0x29: {  	v3 =	vand.u32 $0x7, v3  }
0x2a: {  	v3 =	vor.u32 v3, v4  }
0x2b: {  	v4 =	vperm.xlane v3, v0;
	_ =	sdelay $0x1  }
0x2c: {  	v4 =	vadd.s32 v1, v4;
	_ =	sdelay $0x3  }
0x2d: {  	s30 =	simm.s32 $0x400;
	v3 =	vperm.xlane v3, v2  }
0x2e: {  	[tilespmem:s30], [sflag:$0x1] =	stream.indirect_vreg.gather [hbm4b:s1+s4], $0x80, v4, vm0, $0xb8;
	[tilespmem:$0x18400] =	vst v63  }
0x2f: {  	s31 =	simm.s32 $0xC00;
	v3 =	vadd.s32 v1, v3  }
0x30: {  	[tilespmem:s31], [sflag:$0x1] =	stream.indirect_vreg.gather [hbm4b:s7+s4], $0x80, v4, vm0, $0xb8;
	[tilespmem:$0x18400] =	vst v63  }
0x31: {  	s29 =	simm.s32 $0x1400  }
0x32: {  	[tilespmem:s29], [sflag:$0x1] =	stream.indirect_vreg.gather [hbm4b:s8+s4], $0x80, v4, vm0, $0xb8;
	[tilespmem:$0x18400] =	vst v63  }
0x33: {  	s30 =	simm.s32 $0x1C00  }
0x34: {  	[tilespmem:s30], [sflag:$0x1] =	stream.indirect_vreg.gather [hbm4b:s1+s4], $0x80, v3, vm0, $0xb8;
	[tilespmem:$0x18400] =	vst v63  }
0x35: {  	s31 =	simm.s32 $0x2400  }
0x36: {  	[tilespmem:s31], [sflag:$0x1] =	stream.indirect_vreg.gather [hbm4b:s7+s4], $0x80, v3, vm0, $0xb8;
	[tilespmem:$0x18400] =	vst v63  }
0x37: {  	s29 =	simm.s32 $0x2C00  }
0x38: {  	[tilespmem:s29], [sflag:$0x1] =	stream.indirect_vreg.gather [hbm4b:s8+s4], $0x80, v3, vm0, $0xb8;
	[tilespmem:$0x18400] =	vst v63  }
0x39: {  	v3 =	vld [tilespmem:$0x10];
	_ =	sdelay $0x4  }
0x3a: {  	v59 =	vshrl.u32 v3, $0x3  }
0x3b: {  	v4 =	vmul.u32 $0x30, v59  }
0x3c: {  	v3 =	vand.u32 $0x7, v3  }
0x3d: {  	v3 =	vor.u32 v3, v4  }
0x3e: {  	v4 =	vperm.xlane v3, v0;
	_ =	sdelay $0x1  }
0x3f: {  	v4 =	vadd.s32 v1, v4;
	_ =	sdelay $0x3  }
0x40: {  	s30 =	simm.s32 $0x3400;
	v3 =	vperm.xlane v3, v2  }
0x41: {  	[tilespmem:s30], [sflag:$0x1] =	stream.indirect_vreg.gather [hbm4b:s1+s4], $0x80, v4, vm0, $0xb8;
	[tilespmem:$0x18400] =	vst v63  }
0x42: {  	s31 =	simm.s32 $0x3C00;
	v3 =	vadd.s32 v1, v3  }
0x43: {  	[tilespmem:s31], [sflag:$0x1] =	stream.indirect_vreg.gather [hbm4b:s7+s4], $0x80, v4, vm0, $0xb8;
	[tilespmem:$0x18400] =	vst v63  }
0x44: {  	s29 =	simm.s32 $0x4400  }
0x45: {  	[tilespmem:s29], [sflag:$0x1] =	stream.indirect_vreg.gather [hbm4b:s8+s4], $0x80, v4, vm0, $0xb8;
	[tilespmem:$0x18400] =	vst v63  }
0x46: {  	s30 =	simm.s32 $0x4C00  }
0x47: {  	[tilespmem:s30], [sflag:$0x1] =	stream.indirect_vreg.gather [hbm4b:s1+s4], $0x80, v3, vm0, $0xb8;
	[tilespmem:$0x18400] =	vst v63  }
0x48: {  	s31 =	simm.s32 $0x5400  }
0x49: {  	[tilespmem:s31], [sflag:$0x1] =	stream.indirect_vreg.gather [hbm4b:s7+s4], $0x80, v3, vm0, $0xb8;
	[tilespmem:$0x18400] =	vst v63  }
0x4a: {  	s29 =	simm.s32 $0x5C00  }
0x4b: {  	[tilespmem:s29], [sflag:$0x1] =	stream.indirect_vreg.gather [hbm4b:s8+s4], $0x80, v3, vm0, $0xb8;
	[tilespmem:$0x18400] =	vst v63  }
0x4c: {  	v3 =	vld [tilespmem:$0x20];
	_ =	sdelay $0x4  }
0x4d: {  	v60 =	vshrl.u32 v3, $0x3  }
0x4e: {  	v4 =	vmul.u32 $0x30, v60  }
0x4f: {  	v3 =	vand.u32 $0x7, v3  }
0x50: {  	v3 =	vor.u32 v3, v4  }
0x51: {  	v4 =	vperm.xlane v3, v0;
	_ =	sdelay $0x1  }
0x52: {  	v4 =	vadd.s32 v1, v4;
	_ =	sdelay $0x3  }
0x53: {  	s30 =	simm.s32 $0x6400;
	v3 =	vperm.xlane v3, v2  }
0x54: {  	[tilespmem:s30], [sflag:$0x2] =	stream.indirect_vreg.gather [hbm4b:s1+s4], $0x80, v4, vm0, $0xb8;
	[tilespmem:$0x18400] =	vst v63  }
0x55: {  	s31 =	simm.s32 $0x6C00;
	v3 =	vadd.s32 v1, v3  }
0x56: {  	[tilespmem:s31], [sflag:$0x2] =	stream.indirect_vreg.gather [hbm4b:s7+s4], $0x80, v4, vm0, $0xb8;
	[tilespmem:$0x18400] =	vst v63  }
0x57: {  	s29 =	simm.s32 $0x7400  }
0x58: {  	[tilespmem:s29], [sflag:$0x2] =	stream.indirect_vreg.gather [hbm4b:s8+s4], $0x80, v4, vm0, $0xb8;
	[tilespmem:$0x18400] =	vst v63  }
0x59: {  	s30 =	simm.s32 $0x7C00  }
0x5a: {  	[tilespmem:s30], [sflag:$0x2] =	stream.indirect_vreg.gather [hbm4b:s1+s4], $0x80, v3, vm0, $0xb8;
	[tilespmem:$0x18400] =	vst v63  }
0x5b: {  	s31 =	simm.s32 $0x8400  }
0x5c: {  	[tilespmem:s31], [sflag:$0x2] =	stream.indirect_vreg.gather [hbm4b:s7+s4], $0x80, v3, vm0, $0xb8;
	[tilespmem:$0x18400] =	vst v63  }
0x5d: {  	s29 =	simm.s32 $0x8C00  }
0x5e: {  	[tilespmem:s29], [sflag:$0x2] =	stream.indirect_vreg.gather [hbm4b:s8+s4], $0x80, v3, vm0, $0xb8;
	[tilespmem:$0x18400] =	vst v63  }
0x5f: {  	v3 =	vld [tilespmem:$0x30];
	_ =	sdelay $0x4  }
0x60: {  	v61 =	vshrl.u32 v3, $0x3  }
0x61: {  	v4 =	vmul.u32 $0x30, v61  }
0x62: {  	v3 =	vand.u32 $0x7, v3  }
0x63: {  	v3 =	vor.u32 v3, v4  }
0x64: {  	v4 =	vperm.xlane v3, v0;
	_ =	sdelay $0x1  }
0x65: {  	v4 =	vadd.s32 v1, v4;
	_ =	sdelay $0x3  }
0x66: {  	s30 =	simm.s32 $0x9400;
	v3 =	vperm.xlane v3, v2  }
0x67: {  	[tilespmem:s30], [sflag:$0x2] =	stream.indirect_vreg.gather [hbm4b:s1+s4], $0x80, v4, vm0, $0xb8;
	[tilespmem:$0x18400] =	vst v63  }
0x68: {  	s31 =	simm.s32 $0x9C00;
	v3 =	vadd.s32 v1, v3  }
0x69: {  	[tilespmem:s31], [sflag:$0x2] =	stream.indirect_vreg.gather [hbm4b:s7+s4], $0x80, v4, vm0, $0xb8;
	[tilespmem:$0x18400] =	vst v63  }
0x6a: {  	s29 =	simm.s32 $0xA400  }
0x6b: {  	[tilespmem:s29], [sflag:$0x2] =	stream.indirect_vreg.gather [hbm4b:s8+s4], $0x80, v4, vm0, $0xb8;
	[tilespmem:$0x18400] =	vst v63  }
0x6c: {  	s30 =	simm.s32 $0xAC00  }
0x6d: {  	[tilespmem:s30], [sflag:$0x2] =	stream.indirect_vreg.gather [hbm4b:s1+s4], $0x80, v3, vm0, $0xb8;
	[tilespmem:$0x18400] =	vst v63  }
0x6e: {  	s31 =	simm.s32 $0xB400  }
0x6f: {  	[tilespmem:s31], [sflag:$0x2] =	stream.indirect_vreg.gather [hbm4b:s7+s4], $0x80, v3, vm0, $0xb8;
	[tilespmem:$0x18400] =	vst v63  }
0x70: {  	s29 =	simm.s32 $0xBC00  }
0x71: {  	[tilespmem:s29], [sflag:$0x2] =	stream.indirect_vreg.gather [hbm4b:s8+s4], $0x80, v3, vm0, $0xb8;
	[tilespmem:$0x18400] =	vst v63  }
0x72: {  	v3 =	vld [tilespmem:$0x40];
	_ =	sdelay $0x4  }
0x73: {  	v62 =	vshrl.u32 v3, $0x3  }
0x74: {  	v4 =	vmul.u32 $0x30, v62  }
0x75: {  	v3 =	vand.u32 $0x7, v3  }
0x76: {  	v3 =	vor.u32 v3, v4  }
0x77: {  	v4 =	vperm.xlane v3, v0;
	_ =	sdelay $0x1  }
0x78: {  	v4 =	vadd.s32 v1, v4;
	_ =	sdelay $0x3  }
0x79: {  	v3 =	vperm.xlane v3, v2  }
0x7a: {  	[tilespmem:s18], [sflag:$0x3] =	stream.indirect_vreg.gather [hbm4b:s1+s4], $0x80, v4, vm0, $0xb8;
	[tilespmem:$0x18400] =	vst v63  }
0x7b: {  	s30 =	simm.s32 $0xCC00;
	v3 =	vadd.s32 v1, v3  }
0x7c: {  	[tilespmem:s30], [sflag:$0x3] =	stream.indirect_vreg.gather [hbm4b:s7+s4], $0x80, v4, vm0, $0xb8;
	[tilespmem:$0x18400] =	vst v63  }
0x7d: {  	s31 =	simm.s32 $0xD400  }
0x7e: {  	[tilespmem:s31], [sflag:$0x3] =	stream.indirect_vreg.gather [hbm4b:s8+s4], $0x80, v4, vm0, $0xb8;
	[tilespmem:$0x18400] =	vst v63  }
0x7f: {  	s29 =	simm.s32 $0xDC00  }
0x80: {  	[tilespmem:s29], [sflag:$0x3] =	stream.indirect_vreg.gather [hbm4b:s1+s4], $0x80, v3, vm0, $0xb8;
	[tilespmem:$0x18400] =	vst v63  }
0x81: {  	s30 =	simm.s32 $0xE400  }
0x82: {  	[tilespmem:s30], [sflag:$0x3] =	stream.indirect_vreg.gather [hbm4b:s7+s4], $0x80, v3, vm0, $0xb8;
	[tilespmem:$0x18400] =	vst v63  }
0x83: {  	s31 =	simm.s32 $0xEC00  }
0x84: {  	[tilespmem:s31], [sflag:$0x3] =	stream.indirect_vreg.gather [hbm4b:s8+s4], $0x80, v3, vm0, $0xb8;
	[tilespmem:$0x18400] =	vst v63  }
0x85: {  	v3 =	vld [tilespmem:$0x50];
	_ =	sdelay $0x4  }
0x86: {  	v63 =	vshrl.u32 v3, $0x3  }
0x87: {  	v4 =	vmul.u32 $0x30, v63  }
0x88: {  	v3 =	vand.u32 $0x7, v3  }
0x89: {  	v3 =	vor.u32 v3, v4  }
0x8a: {  	v4 =	vperm.xlane v3, v0;
	_ =	sdelay $0x1  }
0x8b: {  	v4 =	vadd.s32 v1, v4;
	_ =	sdelay $0x3  }
0x8c: {  	s29 =	simm.s32 $0xF400;
	v3 =	vperm.xlane v3, v2  }
0x8d: {  	[tilespmem:s29], [sflag:$0x3] =	stream.indirect_vreg.gather [hbm4b:s1+s4], $0x80, v4, vm0, $0xb8;
	[tilespmem:$0x18400] =	vst v63  }
0x8e: {  	s30 =	simm.s32 $0xFC00;
	v3 =	vadd.s32 v1, v3  }
0x8f: {  	[tilespmem:s30], [sflag:$0x3] =	stream.indirect_vreg.gather [hbm4b:s7+s4], $0x80, v4, vm0, $0xb8;
	[tilespmem:$0x18400] =	vst v63  }
0x90: {  	s31 =	simm.s32 $0x10400  }
0x91: {  	[tilespmem:s31], [sflag:$0x3] =	stream.indirect_vreg.gather [hbm4b:s8+s4], $0x80, v4, vm0, $0xb8;
	[tilespmem:$0x18400] =	vst v63  }
0x92: {  	s29 =	simm.s32 $0x10C00  }
0x93: {  	[tilespmem:s29], [sflag:$0x3] =	stream.indirect_vreg.gather [hbm4b:s1+s4], $0x80, v3, vm0, $0xb8;
	[tilespmem:$0x18400] =	vst v63  }
0x94: {  	s30 =	simm.s32 $0x11400  }
0x95: {  	[tilespmem:s30], [sflag:$0x3] =	stream.indirect_vreg.gather [hbm4b:s7+s4], $0x80, v3, vm0, $0xb8;
	[tilespmem:$0x18400] =	vst v63  }
0x96: {  	s25 =	simm.s32 $0x70;
	s28 =	simm.s32 $0x0;
	s31 =	simm.s32 $0x11C00  }
0x97: {  	[tilespmem:s31], [sflag:$0x3] =	stream.indirect_vreg.gather [hbm4b:s8+s4], $0x80, v3, vm0, $0xb8;
	[tilespmem:$0x18400] =	vst v63  }
.LBB2_2:
0x98: {  	_ =	swait.ge [sflag:s5], $0x6000;
	s29 =	sadd.s32 s28, s10  }
0x99: {  	s31 =	simm.s32 $0x400;
	[sflag:s5] =	ssyncset.done $0x0;
	s30 =	sshrl.u32 s29, $0x3  }
0x9a: {  	p0 =	seq.s32 s28, $0x0;
	[sflag:s5] =	ssyncadd.s32 $0xFFFFA000;
	s30 =	sadd.s32 s3, s30  }
0x9b: {  	[hbm4b:s30+s4] =	stream.linear.scatter [tilespmem:s31], [sflag:$0x5], $0x6000, $0x38;
	[tilespmem:$0x18400] =	vst v63  }
0x9c: {  	s30 =	simm.s32 @!p0 $0x8  }
0x9d: {  	_ =	swait.ge @!p0 [sflag:s30], $0x6000  }
0x9e: {  	[sflag:s30] =	ssyncset.done @!p0 $0x0  }
0x9f: {  	[sflag:s30] =	ssyncadd.s32 @!p0 $0xFFFFA000  }
0xa0: {  	v3 =	vld [tilespmem:s25+$0xFFFFFFF0];
	_ =	sdelay $0x4  }
0xa1: {  	v4 =	vshrl.u32 v3, $0x3  }
0xa2: {  	v4 =	vmul.u32 $0x30, v4  }
0xa3: {  	v3 =	vand.u32 $0x7, v3  }
0xa4: {  	v3 =	vor.u32 v3, v4  }
0xa5: {  	v4 =	vperm.xlane v3, v0;
	_ =	sdelay $0x1  }
0xa6: {  	v4 =	vadd.s32 v1, v4;
	_ =	sdelay $0x3  }
0xa7: {  	v3 =	vperm.xlane v3, v2  }
0xa8: {  	[tilespmem:s2], [sflag:$0x4] =	stream.indirect_vreg.gather [hbm4b:s1+s4], $0x80, v4, vm0, $0xb8;
	[tilespmem:$0x18400] =	vst v63  }
0xa9: {  	v3 =	vadd.s32 v1, v3  }
0xaa: {  	[tilespmem:s0], [sflag:$0x4] =	stream.indirect_vreg.gather [hbm4b:s7+s4], $0x80, v4, vm0, $0xb8;
	[tilespmem:$0x18400] =	vst v63  }
0xab: {  	_ = 	snop  }
0xac: {  	[tilespmem:s11], [sflag:$0x4] =	stream.indirect_vreg.gather [hbm4b:s8+s4], $0x80, v4, vm0, $0xb8;
	[tilespmem:$0x18400] =	vst v63  }
0xad: {  	_ = 	snop  }
0xae: {  	[tilespmem:s12], [sflag:$0x4] =	stream.indirect_vreg.gather [hbm4b:s1+s4], $0x80, v3, vm0, $0xb8;
	[tilespmem:$0x18400] =	vst v63  }
0xaf: {  	_ = 	snop  }
0xb0: {  	[tilespmem:s15], [sflag:$0x4] =	stream.indirect_vreg.gather [hbm4b:s7+s4], $0x80, v3, vm0, $0xb8;
	[tilespmem:$0x18400] =	vst v63  }
0xb1: {  	_ = 	snop  }
0xb2: {  	[tilespmem:s16], [sflag:$0x4] =	stream.indirect_vreg.gather [hbm4b:s8+s4], $0x80, v3, vm0, $0xb8;
	[tilespmem:$0x18400] =	vst v63  }
0xb3: {  	v3 =	vld [tilespmem:s25+$0x0];
	_ =	sdelay $0x4  }
0xb4: {  	v63 =	vshrl.u32 v3, $0x3  }
0xb5: {  	v4 =	vmul.u32 $0x30, v63  }
0xb6: {  	v3 =	vand.u32 $0x7, v3  }
0xb7: {  	v3 =	vor.u32 v3, v4  }
0xb8: {  	v4 =	vperm.xlane v3, v0;
	_ =	sdelay $0x1  }
0xb9: {  	v4 =	vadd.s32 v1, v4;
	_ =	sdelay $0x3  }
0xba: {  	v3 =	vperm.xlane v3, v2  }
0xbb: {  	[tilespmem:s17], [sflag:$0x4] =	stream.indirect_vreg.gather [hbm4b:s1+s4], $0x80, v4, vm0, $0xb8;
	[tilespmem:$0x18400] =	vst v63  }
0xbc: {  	v3 =	vadd.s32 v1, v3  }
0xbd: {  	[tilespmem:s6], [sflag:$0x4] =	stream.indirect_vreg.gather [hbm4b:s7+s4], $0x80, v4, vm0, $0xb8;
	[tilespmem:$0x18400] =	vst v63  }
0xbe: {  	_ = 	snop  }
0xbf: {  	[tilespmem:s9], [sflag:$0x4] =	stream.indirect_vreg.gather [hbm4b:s8+s4], $0x80, v4, vm0, $0xb8;
	[tilespmem:$0x18400] =	vst v63  }
0xc0: {  	_ = 	snop  }
0xc1: {  	[tilespmem:s13], [sflag:$0x4] =	stream.indirect_vreg.gather [hbm4b:s1+s4], $0x80, v3, vm0, $0xb8;
	[tilespmem:$0x18400] =	vst v63  }
0xc2: {  	_ = 	snop  }
0xc3: {  	[tilespmem:s14], [sflag:$0x4] =	stream.indirect_vreg.gather [hbm4b:s7+s4], $0x80, v3, vm0, $0xb8;
	[tilespmem:$0x18400] =	vst v63  }
0xc4: {  	_ = 	snop  }
0xc5: {  	[tilespmem:s26], [sflag:$0x4] =	stream.indirect_vreg.gather [hbm4b:s8+s4], $0x80, v3, vm0, $0xb8;
	[tilespmem:$0x18400] =	vst v63  }
0xc6: {  	s31 =	sadd.s32 $0x6000, s29;
	_ =	swait.ge [sflag:s19], $0x6000  }
0xc7: {  	s30 =	sshrl.u32 s31, $0x3;
	[sflag:s19] =	ssyncset.done $0x0  }
0xc8: {  	s31 =	simm.s32 $0x6400;
	s30 =	sadd.s32 s3, s30;
	[sflag:s19] =	ssyncadd.s32 $0xFFFFA000  }
0xc9: {  	[hbm4b:s30+s4] =	stream.linear.scatter [tilespmem:s31], [sflag:$0x6], $0x6000, $0x38;
	[tilespmem:$0x18400] =	vst v63  }
0xca: {  	_ =	swait.ge [sflag:s20], $0x6000  }
0xcb: {  	[sflag:s20] =	ssyncset.done $0x0  }
0xcc: {  	p0 =	seq.s32 s28, $0xA8000;
	[sflag:s20] =	ssyncadd.s32 $0xFFFFA000  }
0xcd: {  	v3 =	vld @!p0 [tilespmem:s25+$0x10];
	_ =	sdelay $0x4  }
0xce: {  	v4 =	vshrl.u32 @!p0 v3, $0x3  }
0xcf: {  	v4 =	vmul.u32 @!p0 $0x30, v4  }
0xd0: {  	v5 =	vlaneseq.u32 @!p0;
	v3 =	vand.u32 @!p0 $0x7, v3  }
0xd1: {  	v6 =	vshrl.u32 @!p0 v5, $0x3;
	v3 =	vor.u32 @!p0 v3, v4;
	v4 =	vand.u32 @!p0 $0x7, v5  }
0xd2: {  	v6 =	vmul.u32 @!p0 $0x8, v6;
	v7 =	vperm.xlane @!p0 v3, v4;
	_ =	sdelay $0x1  }
0xd3: {  	v7 =	vadd.s32 @!p0 v6, v7;
	_ =	sdelay $0x2  }
0xd4: {  	v5 =	vor.u32 @!p0 $0x8, v5  }
0xd5: {  	vm1 =	vmmov @!p0 $0xffff;
	s30 =	simm.s32 @!p0 $0x0;
	s31 =	simm.s32 @!p0 $0x400;
	v3 =	vperm.xlane @!p0 v3, v5  }
0xd6: {  	[tilespmem:s31], [sflag:$0x1] =	stream.indirect_vreg.gather @!p0 [hbm4b:s1+s30], $0x80, v7, vm1, $0xb8;
	[tilespmem:$0x18400] =	vst v63  }
0xd7: {  	v3 =	vadd.s32 @!p0 v6, v3;
	s31 =	simm.s32 @!p0 $0xC00  }
0xd8: {  	[tilespmem:s31], [sflag:$0x1] =	stream.indirect_vreg.gather @!p0 [hbm4b:s7+s30], $0x80, v7, vm1, $0xb8;
	[tilespmem:$0x18400] =	vst v63  }
0xd9: {  	s31 =	simm.s32 @!p0 $0x1400  }
0xda: {  	[tilespmem:s31], [sflag:$0x1] =	stream.indirect_vreg.gather @!p0 [hbm4b:s8+s30], $0x80, v7, vm1, $0xb8;
	[tilespmem:$0x18400] =	vst v63  }
0xdb: {  	s31 =	simm.s32 @!p0 $0x1C00  }
0xdc: {  	[tilespmem:s31], [sflag:$0x1] =	stream.indirect_vreg.gather @!p0 [hbm4b:s1+s30], $0x80, v3, vm1, $0xb8;
	[tilespmem:$0x18400] =	vst v63  }
0xdd: {  	s31 =	simm.s32 @!p0 $0x2400  }
0xde: {  	[tilespmem:s31], [sflag:$0x1] =	stream.indirect_vreg.gather @!p0 [hbm4b:s7+s30], $0x80, v3, vm1, $0xb8;
	[tilespmem:$0x18400] =	vst v63  }
0xdf: {  	s31 =	simm.s32 @!p0 $0x2C00  }
0xe0: {  	[tilespmem:s31], [sflag:$0x1] =	stream.indirect_vreg.gather @!p0 [hbm4b:s8+s30], $0x80, v3, vm1, $0xb8;
	[tilespmem:$0x18400] =	vst v63  }
0xe1: {  	v3 =	vld @!p0 [tilespmem:s25+$0x20];
	_ =	sdelay $0x4  }
0xe2: {  	v7 =	vshrl.u32 @!p0 v3, $0x3  }
0xe3: {  	v7 =	vmul.u32 @!p0 $0x30, v7  }
0xe4: {  	v3 =	vand.u32 @!p0 $0x7, v3  }
0xe5: {  	v3 =	vor.u32 @!p0 v3, v7  }
0xe6: {  	v7 =	vperm.xlane @!p0 v3, v4;
	_ =	sdelay $0x1  }
0xe7: {  	v7 =	vadd.s32 @!p0 v6, v7;
	_ =	sdelay $0x3  }
0xe8: {  	s31 =	simm.s32 @!p0 $0x3400;
	v3 =	vperm.xlane @!p0 v3, v5  }
0xe9: {  	[tilespmem:s31], [sflag:$0x1] =	stream.indirect_vreg.gather @!p0 [hbm4b:s1+s30], $0x80, v7, vm1, $0xb8;
	[tilespmem:$0x18400] =	vst v63  }
0xea: {  	v3 =	vadd.s32 @!p0 v6, v3;
	s31 =	simm.s32 @!p0 $0x3C00  }
0xeb: {  	[tilespmem:s31], [sflag:$0x1] =	stream.indirect_vreg.gather @!p0 [hbm4b:s7+s30], $0x80, v7, vm1, $0xb8;
	[tilespmem:$0x18400] =	vst v63  }
0xec: {  	s31 =	simm.s32 @!p0 $0x4400  }
0xed: {  	[tilespmem:s31], [sflag:$0x1] =	stream.indirect_vreg.gather @!p0 [hbm4b:s8+s30], $0x80, v7, vm1, $0xb8;
	[tilespmem:$0x18400] =	vst v63  }
0xee: {  	s31 =	simm.s32 @!p0 $0x4C00  }
0xef: {  	[tilespmem:s31], [sflag:$0x1] =	stream.indirect_vreg.gather @!p0 [hbm4b:s1+s30], $0x80, v3, vm1, $0xb8;
	[tilespmem:$0x18400] =	vst v63  }
0xf0: {  	s31 =	simm.s32 @!p0 $0x5400  }
0xf1: {  	[tilespmem:s31], [sflag:$0x1] =	stream.indirect_vreg.gather @!p0 [hbm4b:s7+s30], $0x80, v3, vm1, $0xb8;
	[tilespmem:$0x18400] =	vst v63  }
0xf2: {  	s31 =	simm.s32 @!p0 $0x5C00  }
0xf3: {  	[tilespmem:s31], [sflag:$0x1] =	stream.indirect_vreg.gather @!p0 [hbm4b:s8+s30], $0x80, v3, vm1, $0xb8;
	[tilespmem:$0x18400] =	vst v63  }
0xf4: {  	s31 =	sadd.s32 $0xC000, s29;
	_ =	swait.ge [sflag:s21], $0x6000  }
0xf5: {  	s31 =	sshrl.u32 s31, $0x3;
	[sflag:s21] =	ssyncset.done $0x0  }
0xf6: {  	s31 =	sadd.s32 s3, s31;
	[sflag:s21] =	ssyncadd.s32 $0xFFFFA000  }
0xf7: {  	[hbm4b:s31+s4] =	stream.linear.scatter [tilespmem:s18], [sflag:$0x7], $0x6000, $0x38;
	[tilespmem:$0x18400] =	vst v63  }
0xf8: {  	_ =	swait.ge [sflag:s22], $0x6000  }
0xf9: {  	[sflag:s22] =	ssyncset.done $0x0  }
0xfa: {  	[sflag:s22] =	ssyncadd.s32 $0xFFFFA000  }
0xfb: {  	v3 =	vld @!p0 [tilespmem:s25+$0x30];
	_ =	sdelay $0x4  }
0xfc: {  	v7 =	vshrl.u32 @!p0 v3, $0x3  }
0xfd: {  	v7 =	vmul.u32 @!p0 $0x30, v7  }
0xfe: {  	v3 =	vand.u32 @!p0 $0x7, v3  }
0xff: {  	v3 =	vor.u32 @!p0 v3, v7  }
0x100: {  	v7 =	vperm.xlane @!p0 v3, v4;
	_ =	sdelay $0x1  }
0x101: {  	v7 =	vadd.s32 @!p0 v6, v7;
	_ =	sdelay $0x3  }
0x102: {  	s31 =	simm.s32 @!p0 $0x6400;
	v3 =	vperm.xlane @!p0 v3, v5  }
0x103: {  	[tilespmem:s31], [sflag:$0x2] =	stream.indirect_vreg.gather @!p0 [hbm4b:s1+s30], $0x80, v7, vm1, $0xb8;
	[tilespmem:$0x18400] =	vst v63  }
0x104: {  	v3 =	vadd.s32 @!p0 v6, v3;
	s31 =	simm.s32 @!p0 $0x6C00  }
0x105: {  	[tilespmem:s31], [sflag:$0x2] =	stream.indirect_vreg.gather @!p0 [hbm4b:s7+s30], $0x80, v7, vm1, $0xb8;
	[tilespmem:$0x18400] =	vst v63  }
0x106: {  	s31 =	simm.s32 @!p0 $0x7400  }
0x107: {  	[tilespmem:s31], [sflag:$0x2] =	stream.indirect_vreg.gather @!p0 [hbm4b:s8+s30], $0x80, v7, vm1, $0xb8;
	[tilespmem:$0x18400] =	vst v63  }
0x108: {  	s31 =	simm.s32 @!p0 $0x7C00  }
0x109: {  	[tilespmem:s31], [sflag:$0x2] =	stream.indirect_vreg.gather @!p0 [hbm4b:s1+s30], $0x80, v3, vm1, $0xb8;
	[tilespmem:$0x18400] =	vst v63  }
0x10a: {  	s31 =	simm.s32 @!p0 $0x8400  }
0x10b: {  	[tilespmem:s31], [sflag:$0x2] =	stream.indirect_vreg.gather @!p0 [hbm4b:s7+s30], $0x80, v3, vm1, $0xb8;
	[tilespmem:$0x18400] =	vst v63  }
0x10c: {  	s31 =	simm.s32 @!p0 $0x8C00  }
0x10d: {  	[tilespmem:s31], [sflag:$0x2] =	stream.indirect_vreg.gather @!p0 [hbm4b:s8+s30], $0x80, v3, vm1, $0xb8;
	[tilespmem:$0x18400] =	vst v63  }
0x10e: {  	v3 =	vld @!p0 [tilespmem:s25+$0x40];
	_ =	sdelay $0x4  }
0x10f: {  	v7 =	vshrl.u32 @!p0 v3, $0x3  }
0x110: {  	v7 =	vmul.u32 @!p0 $0x30, v7  }
0x111: {  	v3 =	vand.u32 @!p0 $0x7, v3  }
0x112: {  	v3 =	vor.u32 @!p0 v3, v7  }
0x113: {  	v4 =	vperm.xlane @!p0 v3, v4;
	_ =	sdelay $0x1  }
0x114: {  	v4 =	vadd.s32 @!p0 v6, v4;
	_ =	sdelay $0x3  }
0x115: {  	s31 =	simm.s32 @!p0 $0x9400;
	v3 =	vperm.xlane @!p0 v3, v5  }
0x116: {  	[tilespmem:s31], [sflag:$0x2] =	stream.indirect_vreg.gather @!p0 [hbm4b:s1+s30], $0x80, v4, vm1, $0xb8;
	[tilespmem:$0x18400] =	vst v63  }
0x117: {  	v3 =	vadd.s32 @!p0 v6, v3;
	s31 =	simm.s32 @!p0 $0x9C00  }
0x118: {  	[tilespmem:s31], [sflag:$0x2] =	stream.indirect_vreg.gather @!p0 [hbm4b:s7+s30], $0x80, v4, vm1, $0xb8;
	[tilespmem:$0x18400] =	vst v63  }
0x119: {  	s31 =	simm.s32 @!p0 $0xA400  }
0x11a: {  	[tilespmem:s31], [sflag:$0x2] =	stream.indirect_vreg.gather @!p0 [hbm4b:s8+s30], $0x80, v4, vm1, $0xb8;
	[tilespmem:$0x18400] =	vst v63  }
0x11b: {  	s31 =	simm.s32 @!p0 $0xAC00  }
0x11c: {  	[tilespmem:s31], [sflag:$0x2] =	stream.indirect_vreg.gather @!p0 [hbm4b:s1+s30], $0x80, v3, vm1, $0xb8;
	[tilespmem:$0x18400] =	vst v63  }
0x11d: {  	s31 =	simm.s32 @!p0 $0xB400  }
0x11e: {  	[tilespmem:s31], [sflag:$0x2] =	stream.indirect_vreg.gather @!p0 [hbm4b:s7+s30], $0x80, v3, vm1, $0xb8;
	[tilespmem:$0x18400] =	vst v63  }
0x11f: {  	s31 =	simm.s32 @!p0 $0xBC00  }
0x120: {  	[tilespmem:s31], [sflag:$0x2] =	stream.indirect_vreg.gather @!p0 [hbm4b:s8+s30], $0x80, v3, vm1, $0xb8;
	[tilespmem:$0x18400] =	vst v63  }
0x121: {  	s29 =	sadd.s32 $0x12000, s29;
	_ =	swait.ge [sflag:s23], $0x6000  }
0x122: {  	s29 =	sshrl.u32 s29, $0x3;
	[sflag:s23] =	ssyncset.done $0x0  }
.Ltmp2:
0x123: {  	s29 =	sadd.s32 s3, s29;
	[sflag:s23] =	ssyncadd.s32 $0xFFFFA000;
	(pc) =	sbr.rel @p0 .LBB2_4-.Ltmp2, $4  }
0x124: {  	[hbm4b:s29+s4] =	stream.linear.scatter [tilespmem:s2], [sflag:$0x8], $0x6000, $0x38;
	[tilespmem:$0x18400] =	vst v63  }
0x125: {  	_ =	swait.ge [sflag:s24], $0x6000  }
0x126: {  	[sflag:s24] =	ssyncset.done $0x0  }
0x127: {  	[sflag:s24] =	ssyncadd.s32 $0xFFFFA000  }
0x128: {  	v3 =	vld [tilespmem:s25+$0x50];
	_ =	sdelay $0x4  }
0x129: {  	v4 =	vshrl.u32 v3, $0x3  }
0x12a: {  	v4 =	vmul.u32 $0x30, v4  }
0x12b: {  	v3 =	vand.u32 $0x7, v3  }
0x12c: {  	v3 =	vor.u32 v3, v4  }
0x12d: {  	v4 =	vperm.xlane v3, v0;
	_ =	sdelay $0x1  }
0x12e: {  	v4 =	vadd.s32 v1, v4;
	_ =	sdelay $0x3  }
0x12f: {  	v3 =	vperm.xlane v3, v2  }
0x130: {  	[tilespmem:s18], [sflag:$0x3] =	stream.indirect_vreg.gather [hbm4b:s1+s4], $0x80, v4, vm0, $0xb8;
	[tilespmem:$0x18400] =	vst v63  }
0x131: {  	s29 =	simm.s32 $0xCC00;
	v3 =	vadd.s32 v1, v3  }
0x132: {  	[tilespmem:s29], [sflag:$0x3] =	stream.indirect_vreg.gather [hbm4b:s7+s4], $0x80, v4, vm0, $0xb8;
	[tilespmem:$0x18400] =	vst v63  }
0x133: {  	s30 =	simm.s32 $0xD400  }
0x134: {  	[tilespmem:s30], [sflag:$0x3] =	stream.indirect_vreg.gather [hbm4b:s8+s4], $0x80, v4, vm0, $0xb8;
	[tilespmem:$0x18400] =	vst v63  }
0x135: {  	s31 =	simm.s32 $0xDC00  }
0x136: {  	[tilespmem:s31], [sflag:$0x3] =	stream.indirect_vreg.gather [hbm4b:s1+s4], $0x80, v3, vm0, $0xb8;
	[tilespmem:$0x18400] =	vst v63  }
0x137: {  	s30 =	simm.s32 $0xE400  }
0x138: {  	[tilespmem:s30], [sflag:$0x3] =	stream.indirect_vreg.gather [hbm4b:s7+s4], $0x80, v3, vm0, $0xb8;
	[tilespmem:$0x18400] =	vst v63  }
0x139: {  	s31 =	simm.s32 $0xEC00  }
0x13a: {  	[tilespmem:s31], [sflag:$0x3] =	stream.indirect_vreg.gather [hbm4b:s8+s4], $0x80, v3, vm0, $0xb8;
	[tilespmem:$0x18400] =	vst v63  }
0x13b: {  	v3 =	vld [tilespmem:s25+$0x60];
	_ =	sdelay $0x4  }
0x13c: {  	v63 =	vshrl.u32 v3, $0x3  }
0x13d: {  	v4 =	vmul.u32 $0x30, v63  }
0x13e: {  	v3 =	vand.u32 $0x7, v3  }
0x13f: {  	v3 =	vor.u32 v3, v4  }
0x140: {  	v4 =	vperm.xlane v3, v0;
	_ =	sdelay $0x1  }
0x141: {  	v4 =	vadd.s32 v1, v4;
	_ =	sdelay $0x3  }
0x142: {  	s30 =	simm.s32 $0xF400;
	v3 =	vperm.xlane v3, v2  }
0x143: {  	[tilespmem:s30], [sflag:$0x3] =	stream.indirect_vreg.gather [hbm4b:s1+s4], $0x80, v4, vm0, $0xb8;
	[tilespmem:$0x18400] =	vst v63  }
0x144: {  	s31 =	simm.s32 $0xFC00;
	v3 =	vadd.s32 v1, v3  }
0x145: {  	[tilespmem:s31], [sflag:$0x3] =	stream.indirect_vreg.gather [hbm4b:s7+s4], $0x80, v4, vm0, $0xb8;
	[tilespmem:$0x18400] =	vst v63  }
0x146: {  	s30 =	simm.s32 $0x10400  }
0x147: {  	[tilespmem:s30], [sflag:$0x3] =	stream.indirect_vreg.gather [hbm4b:s8+s4], $0x80, v4, vm0, $0xb8;
	[tilespmem:$0x18400] =	vst v63  }
0x148: {  	s31 =	simm.s32 $0x10C00  }
0x149: {  	[tilespmem:s31], [sflag:$0x3] =	stream.indirect_vreg.gather [hbm4b:s1+s4], $0x80, v3, vm0, $0xb8;
	[tilespmem:$0x18400] =	vst v63  }
.Ltmp3:
0x14a: {  	_ = 	snop;
	(pc) =	sbr.rel .LBB2_2-.Ltmp3, $4  }
0x14b: {  	s30 =	simm.s32 $0x11400  }
0x14c: {  	[tilespmem:s30], [sflag:$0x3] =	stream.indirect_vreg.gather [hbm4b:s7+s4], $0x80, v3, vm0, $0xb8;
	[tilespmem:$0x18400] =	vst v63  }
0x14d: {  	s28 =	sadd.s32 $0x18000, s28;
	s25 =	sadd.s32 $0x80, s25;
	s31 =	simm.s32 $0x11C00  }
0x14e: {  	[tilespmem:s31], [sflag:$0x3] =	stream.indirect_vreg.gather [hbm4b:s8+s4], $0x80, v3, vm0, $0xb8;
	[tilespmem:$0x18400] =	vst v63  }
.LBB2_5:
0x14f: {  	_ =	sfence.sel $0x180000  }
0x150: {  	[bflag:$0x0] =	sbarrier.arrive $0xFFFF  }
0x151: {  	_ =	strace $0x90000047  }
0x152: {  	s0 =	stileid.u32;
	[bflag:$0x2] =	sbarrier.arrive $0xFFFF  }
0x153: {  	p0 =	sne.s32 s0, $0x0;
	s0 =	rddreg [dreg:$0x3]  }
0x154: {  	s0 =	sadd.s32 @!p0 $0x100000, s0  }
0x155: {  	[sflag:s0] =	ssyncadd.tile.s32 @!p0 $0x1;
	_ =	shalt  }
.Lfunc_end2:
_tile_overlayer_lowered:
.L_overlay_start_2:
0x156: {  	(tag) =	ssettag $0x2  }
0x157: {  	s0 =	rddreg [dreg:$0x0];
	s2 =	stileid.u32  }
0x158: {  	s1 =	rddreg [dreg:$0x1];
	p0 =	sne.s32 s2, $0x0  }
0x159: {  	s3 =	rddreg [dreg:$0x2];
	[bflag:$0x3] =	sbarrier.arrive $0xFFFF;
	s2 =	simm.s32 @!p0 $0x1C09  }
0x15a: {  	[timem:s3], [sflag:s2] =	dma.local @!p0 [hbm:s0], s1  }
0x15b: {  	s0 =	simm.s32 @!p0 $0x9  }
0x15c: {  	_ =	swait.ge @!p0 [sflag:s0], s1  }
0x15d: {  	s1 =	ssub.s32 @!p0 $0x0, s1;
	[sflag:s0] =	ssyncset.done @!p0 $0x0  }
0x15e: {  	[sflag:s0] =	ssyncadd.s32 @!p0 s1  }
0x15f: {  	[bflag:$0x3] =	sbarrier.arrive $0xFFFF  }
0x160: {  	_ =	shalt  }

</sc_bundles>
